<compile_context>
chip_gen: v7x
topology: tpu7x:2x2x1
jax: 0.10.2.dev20260603
libtpu: 0.0.44.dev20260713+nightly
codegen_flags: <defaults>
</compile_context>

<pallas_src>
import functools

import jax
import jax.numpy as jnp
from jax import lax
from jax.experimental import pallas as pl
from jax.experimental.pallas import tpu as pltpu
from jax.experimental.pallas import tpu_sc as plsc

B = 4096
K = 8192
D = 4096
BM = 1024
BK = 512
TILE = 2048
TB = TILE // BK
NB = B // BM
NK = K // BK


def _dist_argmin_kernel(z_ref, c_ref, zsq_ref, csq_ref, idx_ref, mind_ref,
                        tile_min, tile_idx, run_v, run_i, run_d):
    k = pl.program_id(1)
    zb = z_ref[...]
    cb = c_ref[...]
    dot = lax.dot_general(zb, cb, (((1,), (1,)), ((), ())),
                          preferred_element_type=jnp.float32)
    d = (zsq_ref[...] + csq_ref[...]) - 2.0 * dot

    lmin = jnp.min(d, axis=1, keepdims=True)
    cols = lax.broadcasted_iota(jnp.int32, (1, BK), 1)
    lidx = jnp.min(jnp.where(d == lmin, cols, K), axis=1,
                   keepdims=True) + k * BK

    @pl.when(k % TB == 0)
    def _():
        tile_min[...] = lmin
        tile_idx[...] = lidx

    @pl.when(k % TB != 0)
    def _():
        better = lmin < tile_min[...]
        tile_min[...] = jnp.where(better, lmin, tile_min[...])
        tile_idx[...] = jnp.where(better, lidx, tile_idx[...])

    @pl.when(k % TB == TB - 1)
    def _():
        m = tile_min[...]
        ti = tile_idx[...]

        @pl.when(k == TB - 1)
        def _():
            run_i[...] = ti
            run_d[...] = m
            run_v[...] = m.astype(jnp.bfloat16).astype(jnp.float32)

        @pl.when(k > TB - 1)
        def _():
            take = m < run_v[...]
            run_i[...] = jnp.where(take, ti, run_i[...])
            run_d[...] = jnp.where(take, m, run_d[...])
            run_v[...] = jnp.where(take, m, run_v[...]).astype(
                jnp.bfloat16).astype(jnp.float32)

    @pl.when(k == NK - 1)
    def _():
        idx_ref[0] = run_i[...]
        mind_ref[0] = run_d[...]


def _dist_argmin(z_flat, codebook, zsq, csq):
    idx, mind = pl.pallas_call(
        _dist_argmin_kernel,
        grid=(NB, NK),
        in_specs=[
            pl.BlockSpec((BM, D), lambda i, k: (i, 0)),
            pl.BlockSpec((BK, D), lambda i, k: (k, 0)),
            pl.BlockSpec((BM, 1), lambda i, k: (i, 0)),
            pl.BlockSpec((1, BK), lambda i, k: (0, k)),
        ],
        out_specs=[
            pl.BlockSpec((1, BM, 1), lambda i, k: (i, 0, 0)),
            pl.BlockSpec((1, BM, 1), lambda i, k: (i, 0, 0)),
        ],
        out_shape=[
            jax.ShapeDtypeStruct((NB, BM, 1), jnp.int32),
            jax.ShapeDtypeStruct((NB, BM, 1), jnp.float32),
        ],
        scratch_shapes=[
            pltpu.VMEM((BM, 1), jnp.float32),
            pltpu.VMEM((BM, 1), jnp.int32),
            pltpu.VMEM((BM, 1), jnp.float32),
            pltpu.VMEM((BM, 1), jnp.int32),
            pltpu.VMEM((BM, 1), jnp.float32),
        ],
        compiler_params=pltpu.CompilerParams(
            dimension_semantics=("parallel", "arbitrary"),
            vmem_limit_bytes=67108864),
    )(z_flat, codebook, zsq, csq)
    return idx.reshape(B), mind.reshape(B)


_SC_INFO = plsc.get_sparse_core_info()
_NC = _SC_INFO.num_cores
_NS = _SC_INFO.num_subcores
_NW = _NC * _NS
_BPW = B // _NW
_CH = 8
_NCH = _BPW // _CH


def _gather_sc_kernel(idx_hbm, table_hbm, out_hbm, idx_v, buf0, buf1,
                      sem0, sem1):
    wid = lax.axis_index("s") * _NC + lax.axis_index("c")
    base = wid * _BPW
    pltpu.sync_copy(idx_hbm.at[pl.ds(base, _BPW)], idx_v)
    bufs = (buf0, buf1)
    sems = (sem0, sem1)
    copies = []
    for t in range(_NCH):
        cp = pltpu.async_copy(
            table_hbm.at[idx_v.at[pl.ds(t * _CH, _CH)]], bufs[t % 2],
            sems[t % 2])
        copies.append(cp)
        if t >= 1:
            copies[t - 1].wait()
            pltpu.sync_copy(bufs[(t - 1) % 2],
                            out_hbm.at[pl.ds(base + (t - 1) * _CH, _CH)])
    copies[-1].wait()
    pltpu.sync_copy(bufs[(_NCH - 1) % 2],
                    out_hbm.at[pl.ds(base + (_NCH - 1) * _CH, _CH)])


@functools.partial(
    pl.kernel,
    mesh=plsc.VectorSubcoreMesh(core_axis_name="c", subcore_axis_name="s"),
    out_type=jax.ShapeDtypeStruct((B, D), jnp.float32),
    scratch_types=[
        pltpu.VMEM((_BPW,), jnp.int32),
        pltpu.VMEM((_CH, D), jnp.float32),
        pltpu.VMEM((_CH, D), jnp.float32),
        pltpu.SemaphoreType.DMA,
        pltpu.SemaphoreType.DMA,
    ],
)
def _gather(idx_hbm, table_hbm, out_hbm, idx_v, buf0, buf1, sem0, sem1):
    _gather_sc_kernel(idx_hbm, table_hbm, out_hbm, idx_v, buf0, buf1,
                      sem0, sem1)


def kernel(z, codebook):
    z_flat = z.reshape(B, -1)
    zsq = jnp.sum(z_flat ** 2, axis=1, keepdims=True)
    csq = jnp.sum(codebook ** 2, axis=1).reshape(1, K)
    indices, mind = _dist_argmin(z_flat, codebook, zsq, csq)
    quantized_flat = _gather(indices, codebook)
    loss = 1.25 * (jnp.sum(mind) / (B * D))
    quantized = quantized_flat.reshape(z.shape)
    return (loss, quantized, indices)

# --- scband reference (transcript-rebuilt; emitter-appended) ---
"""Pipeline reference for scband-patch-vector-quantizer-71262097375562 (READ-ONLY COPY).

The authoritative reference and input builder live on the scoring server;
editing this copy changes nothing except your own understanding.
"""

import jax, jax.numpy as jnp
import numpy as np

CODEBOOK_SIZE = 8192
EMBEDDING_DIM = 256
COMPRESSED_LEN = 16
CODE_DIM = EMBEDDING_DIM * COMPRESSED_LEN
COMMITMENT_COST = 0.25


def setup_inputs(seed: int = 0) -> dict:
    key = jax.random.key(seed)
    k1, k2 = jax.random.split(key)
    z = jax.random.normal(k1, (4096, EMBEDDING_DIM, COMPRESSED_LEN), dtype=jnp.float32)
    codebook = jax.random.uniform(
        k2, (CODEBOOK_SIZE, CODE_DIM), dtype=jnp.float32,
        minval=-1.0 / CODEBOOK_SIZE, maxval=1.0 / CODEBOOK_SIZE)
    return {"z": z, "codebook": codebook}


def reference(z, codebook):
    B = z.shape[0]
    z_flat = z.reshape(B, -1)
    distances = (jnp.sum(z_flat ** 2, axis=1, keepdims=True)
                 + jnp.sum(codebook ** 2, axis=1)
                 - 2.0 * jnp.matmul(z_flat, codebook.T))
    indices = jnp.argmin(distances, axis=1)
    quantized_flat = jnp.take(codebook, indices, axis=0)
    quantized = quantized_flat.reshape(B, EMBEDDING_DIM, COMPRESSED_LEN)
    e_latent_loss = jnp.mean((jax.lax.stop_gradient(quantized_flat) - z_flat) ** 2)
    q_latent_loss = jnp.mean((quantized_flat - jax.lax.stop_gradient(z_flat)) ** 2)
    loss = q_latent_loss + COMMITMENT_COST * e_latent_loss
    quantized = z + jax.lax.stop_gradient(quantized - z)
    return (loss, quantized, indices)

if __name__ == "__main__":
    import jax
    _d = setup_inputs()
    print(jax.jit(kernel)(*tuple(_d.values())))

</pallas_src>

<mosaic_0001>
#map = affine_map<(d0, d1) -> (0)>
#map1 = affine_map<(d0, d1) -> (0, 0)>
module attributes {stable_mosaic.version = 14 : i64} {
  func.func @_gather(%arg0: i32, %arg1: i32, %arg2: memref<4096xi32, #tpu.memory_space<hbm>>, %arg3: memref<8192x4096xf32, #tpu.memory_space<hbm>>, %arg4: memref<4096x4096xf32, #tpu.memory_space<hbm>>, %arg5: memref<128xi32, #tpu.memory_space<vmem>>, %arg6: memref<8x4096xf32, #tpu.memory_space<vmem>>, %arg7: memref<8x4096xf32, #tpu.memory_space<vmem>>, %arg8: memref<!tpu.dma_semaphore, #tpu.memory_space<semaphore_mem>>, %arg9: memref<!tpu.dma_semaphore, #tpu.memory_space<semaphore_mem>>) attributes {dimension_semantics = [#tpu.dimension_semantics<core_parallel>, #tpu.dimension_semantics<subcore_parallel>], iteration_bounds = array<i64: 2, 16>, scalar_prefetch = 0 : i64, scratch_operands = 5 : i64, tpu.core_type = #tpu.core_type<sc_vector_subcore>, window_params = [{transform_indices = #map}, {transform_indices = #map1}, {transform_indices = #map1}]} {
    %mul3A = arith.constant 2 : i32
    %mul3A_0 = arith.muli %arg1, %mul3A : i32
    %add3A = arith.addi %mul3A_0, %arg0 : i32
    %mul3A_1 = arith.constant 128 : i32
    %mul3A_2 = arith.muli %add3A, %mul3A_1 : i32
    "tpu.region"() ({
      %run_scoped3A = tpu.sem_alloc : memref<!tpu.dma_semaphore, #tpu.memory_space<semaphore_mem>>
      %dma_start3A_193 = tpu.memref_slice %arg2[%mul3A_2] : memref<4096xi32, #tpu.memory_space<hbm>> -> memref<128xi32, #tpu.memory_space<hbm>>
      %dma_start3A_194 = tpu.memref_slice %arg2[%mul3A_2] : memref<4096xi32, #tpu.memory_space<hbm>> -> memref<128xi32, #tpu.memory_space<hbm>>
      tpu.enqueue_dma source(%dma_start3A_194 : memref<128xi32, #tpu.memory_space<hbm>>) target(%arg5 : memref<128xi32, #tpu.memory_space<vmem>>) target_semaphore(%run_scoped3A : memref<!tpu.dma_semaphore, #tpu.memory_space<semaphore_mem>>)
      %dma_wait3A_195 = tpu.memref_slice %arg2[%mul3A_2] : memref<4096xi32, #tpu.memory_space<hbm>> -> memref<128xi32, #tpu.memory_space<hbm>>
      %dma_wait3A_196 = tpu.memref_slice %arg2[%mul3A_2] : memref<4096xi32, #tpu.memory_space<hbm>> -> memref<128xi32, #tpu.memory_space<hbm>>
      tpu.wait_dma2 semaphore(%run_scoped3A : memref<!tpu.dma_semaphore, #tpu.memory_space<semaphore_mem>>) src(%dma_wait3A_196 : memref<128xi32, #tpu.memory_space<hbm>>) dst(%arg5 : memref<128xi32, #tpu.memory_space<vmem>>)
      tpu.yield
    }) : () -> ()
    %dma_start3A = arith.constant 0 : i32
    %dma_start3A_3 = tpu.memref_slice %arg5[%dma_start3A] : memref<128xi32, #tpu.memory_space<vmem>> -> memref<8xi32, #tpu.memory_space<vmem>>
    %dma_start3A_4 = arith.constant 0 : i32
    %dma_start3A_5 = arith.constant 0 : i32
    %dma_start3A_6 = tpu.memref_slice %arg3[%dma_start3A_4, %dma_start3A_5] : memref<8192x4096xf32, #tpu.memory_space<hbm>> -> memref<8192x4096xf32, #tpu.memory_space<hbm>>
    tpu.enqueue_indirect_dma source(%dma_start3A_6 : memref<8192x4096xf32, #tpu.memory_space<hbm>>) target(%arg6 : memref<8x4096xf32, #tpu.memory_space<vmem>>) offsets(%dma_start3A_3 : memref<8xi32, #tpu.memory_space<vmem>>) semaphore(%arg8 : memref<!tpu.dma_semaphore, #tpu.memory_space<semaphore_mem>>)
    %dma_start3A_7 = arith.constant 8 : i32
    %dma_start3A_8 = tpu.memref_slice %arg5[%dma_start3A_7] : memref<128xi32, #tpu.memory_space<vmem>> -> memref<8xi32, #tpu.memory_space<vmem>>
    %dma_start3A_9 = arith.constant 0 : i32
    %dma_start3A_10 = arith.constant 0 : i32
    %dma_start3A_11 = tpu.memref_slice %arg3[%dma_start3A_9, %dma_start3A_10] : memref<8192x4096xf32, #tpu.memory_space<hbm>> -> memref<8192x4096xf32, #tpu.memory_space<hbm>>
    tpu.enqueue_indirect_dma source(%dma_start3A_11 : memref<8192x4096xf32, #tpu.memory_space<hbm>>) target(%arg7 : memref<8x4096xf32, #tpu.memory_space<vmem>>) offsets(%dma_start3A_8 : memref<8xi32, #tpu.memory_space<vmem>>) semaphore(%arg9 : memref<!tpu.dma_semaphore, #tpu.memory_space<semaphore_mem>>)
    %dma_wait3A = arith.constant 0 : i32
    %dma_wait3A_12 = tpu.memref_slice %arg5[%dma_wait3A] : memref<128xi32, #tpu.memory_space<vmem>> -> memref<8xi32, #tpu.memory_space<vmem>>
    %dma_wait3A_13 = arith.constant 0 : i32
    %dma_wait3A_14 = arith.constant 0 : i32
    %dma_wait3A_15 = tpu.memref_slice %arg3[%dma_wait3A_13, %dma_wait3A_14] : memref<8192x4096xf32, #tpu.memory_space<hbm>> -> memref<8192x4096xf32, #tpu.memory_space<hbm>>
    tpu.wait_indirect_dma semaphore(%arg8 : memref<!tpu.dma_semaphore, #tpu.memory_space<semaphore_mem>>) src(%dma_wait3A_15 : memref<8192x4096xf32, #tpu.memory_space<hbm>>) dst(%arg6 : memref<8x4096xf32, #tpu.memory_space<vmem>>)
    %add3A_16 = arith.constant 0 : i32
    %add3A_17 = arith.addi %mul3A_2, %add3A_16 : i32
    "tpu.region"() ({
      %run_scoped3A = tpu.sem_alloc : memref<!tpu.dma_semaphore, #tpu.memory_space<semaphore_mem>>
      %dma_start3A_193 = arith.constant 0 : i32
      %dma_start3A_194 = tpu.memref_slice %arg4[%add3A_17, %dma_start3A_193] : memref<4096x4096xf32, #tpu.memory_space<hbm>> -> memref<8x4096xf32, #tpu.memory_space<hbm>>
      %dma_start3A_195 = arith.constant 0 : i32
      %dma_start3A_196 = tpu.memref_slice %arg4[%add3A_17, %dma_start3A_195] : memref<4096x4096xf32, #tpu.memory_space<hbm>> -> memref<8x4096xf32, #tpu.memory_space<hbm>>
      tpu.enqueue_dma source(%arg6 : memref<8x4096xf32, #tpu.memory_space<vmem>>) target(%dma_start3A_196 : memref<8x4096xf32, #tpu.memory_space<hbm>>) target_semaphore(%run_scoped3A : memref<!tpu.dma_semaphore, #tpu.memory_space<semaphore_mem>>)
      %dma_wait3A_197 = arith.constant 0 : i32
      %dma_wait3A_198 = tpu.memref_slice %arg4[%add3A_17, %dma_wait3A_197] : memref<4096x4096xf32, #tpu.memory_space<hbm>> -> memref<8x4096xf32, #tpu.memory_space<hbm>>
      %dma_wait3A_199 = arith.constant 0 : i32
      %dma_wait3A_200 = tpu.memref_slice %arg4[%add3A_17, %dma_wait3A_199] : memref<4096x4096xf32, #tpu.memory_space<hbm>> -> memref<8x4096xf32, #tpu.memory_space<hbm>>
      tpu.wait_dma2 semaphore(%run_scoped3A : memref<!tpu.dma_semaphore, #tpu.memory_space<semaphore_mem>>) src(%arg6 : memref<8x4096xf32, #tpu.memory_space<vmem>>) dst(%dma_wait3A_200 : memref<8x4096xf32, #tpu.memory_space<hbm>>)
      tpu.yield
    }) : () -> ()
    %dma_start3A_18 = arith.constant 16 : i32
    %dma_start3A_19 = tpu.memref_slice %arg5[%dma_start3A_18] : memref<128xi32, #tpu.memory_space<vmem>> -> memref<8xi32, #tpu.memory_space<vmem>>
    %dma_start3A_20 = arith.constant 0 : i32
    %dma_start3A_21 = arith.constant 0 : i32
    %dma_start3A_22 = tpu.memref_slice %arg3[%dma_start3A_20, %dma_start3A_21] : memref<8192x4096xf32, #tpu.memory_space<hbm>> -> memref<8192x4096xf32, #tpu.memory_space<hbm>>
    tpu.enqueue_indirect_dma source(%dma_start3A_22 : memref<8192x4096xf32, #tpu.memory_space<hbm>>) target(%arg6 : memref<8x4096xf32, #tpu.memory_space<vmem>>) offsets(%dma_start3A_19 : memref<8xi32, #tpu.memory_space<vmem>>) semaphore(%arg8 : memref<!tpu.dma_semaphore, #tpu.memory_space<semaphore_mem>>)
    %dma_wait3A_23 = arith.constant 8 : i32
    %dma_wait3A_24 = tpu.memref_slice %arg5[%dma_wait3A_23] : memref<128xi32, #tpu.memory_space<vmem>> -> memref<8xi32, #tpu.memory_space<vmem>>
    %dma_wait3A_25 = arith.constant 0 : i32
    %dma_wait3A_26 = arith.constant 0 : i32
    %dma_wait3A_27 = tpu.memref_slice %arg3[%dma_wait3A_25, %dma_wait3A_26] : memref<8192x4096xf32, #tpu.memory_space<hbm>> -> memref<8192x4096xf32, #tpu.memory_space<hbm>>
    tpu.wait_indirect_dma semaphore(%arg9 : memref<!tpu.dma_semaphore, #tpu.memory_space<semaphore_mem>>) src(%dma_wait3A_27 : memref<8192x4096xf32, #tpu.memory_space<hbm>>) dst(%arg7 : memref<8x4096xf32, #tpu.memory_space<vmem>>)
    %add3A_28 = arith.constant 8 : i32
    %add3A_29 = arith.addi %mul3A_2, %add3A_28 : i32
    "tpu.region"() ({
      %run_scoped3A = tpu.sem_alloc : memref<!tpu.dma_semaphore, #tpu.memory_space<semaphore_mem>>
      %dma_start3A_193 = arith.constant 0 : i32
      %dma_start3A_194 = tpu.memref_slice %arg4[%add3A_29, %dma_start3A_193] : memref<4096x4096xf32, #tpu.memory_space<hbm>> -> memref<8x4096xf32, #tpu.memory_space<hbm>>
      %dma_start3A_195 = arith.constant 0 : i32
      %dma_start3A_196 = tpu.memref_slice %arg4[%add3A_29, %dma_start3A_195] : memref<4096x4096xf32, #tpu.memory_space<hbm>> -> memref<8x4096xf32, #tpu.memory_space<hbm>>
      tpu.enqueue_dma source(%arg7 : memref<8x4096xf32, #tpu.memory_space<vmem>>) target(%dma_start3A_196 : memref<8x4096xf32, #tpu.memory_space<hbm>>) target_semaphore(%run_scoped3A : memref<!tpu.dma_semaphore, #tpu.memory_space<semaphore_mem>>)
      %dma_wait3A_197 = arith.constant 0 : i32
      %dma_wait3A_198 = tpu.memref_slice %arg4[%add3A_29, %dma_wait3A_197] : memref<4096x4096xf32, #tpu.memory_space<hbm>> -> memref<8x4096xf32, #tpu.memory_space<hbm>>
      %dma_wait3A_199 = arith.constant 0 : i32
      %dma_wait3A_200 = tpu.memref_slice %arg4[%add3A_29, %dma_wait3A_199] : memref<4096x4096xf32, #tpu.memory_space<hbm>> -> memref<8x4096xf32, #tpu.memory_space<hbm>>
      tpu.wait_dma2 semaphore(%run_scoped3A : memref<!tpu.dma_semaphore, #tpu.memory_space<semaphore_mem>>) src(%arg7 : memref<8x4096xf32, #tpu.memory_space<vmem>>) dst(%dma_wait3A_200 : memref<8x4096xf32, #tpu.memory_space<hbm>>)
      tpu.yield
    }) : () -> ()
    %dma_start3A_30 = arith.constant 24 : i32
    %dma_start3A_31 = tpu.memref_slice %arg5[%dma_start3A_30] : memref<128xi32, #tpu.memory_space<vmem>> -> memref<8xi32, #tpu.memory_space<vmem>>
    %dma_start3A_32 = arith.constant 0 : i32
    %dma_start3A_33 = arith.constant 0 : i32
    %dma_start3A_34 = tpu.memref_slice %arg3[%dma_start3A_32, %dma_start3A_33] : memref<8192x4096xf32, #tpu.memory_space<hbm>> -> memref<8192x4096xf32, #tpu.memory_space<hbm>>
    tpu.enqueue_indirect_dma source(%dma_start3A_34 : memref<8192x4096xf32, #tpu.memory_space<hbm>>) target(%arg7 : memref<8x4096xf32, #tpu.memory_space<vmem>>) offsets(%dma_start3A_31 : memref<8xi32, #tpu.memory_space<vmem>>) semaphore(%arg9 : memref<!tpu.dma_semaphore, #tpu.memory_space<semaphore_mem>>)
    %dma_wait3A_35 = arith.constant 16 : i32
    %dma_wait3A_36 = tpu.memref_slice %arg5[%dma_wait3A_35] : memref<128xi32, #tpu.memory_space<vmem>> -> memref<8xi32, #tpu.memory_space<vmem>>
    %dma_wait3A_37 = arith.constant 0 : i32
    %dma_wait3A_38 = arith.constant 0 : i32
    %dma_wait3A_39 = tpu.memref_slice %arg3[%dma_wait3A_37, %dma_wait3A_38] : memref<8192x4096xf32, #tpu.memory_space<hbm>> -> memref<8192x4096xf32, #tpu.memory_space<hbm>>
    tpu.wait_indirect_dma semaphore(%arg8 : memref<!tpu.dma_semaphore, #tpu.memory_space<semaphore_mem>>) src(%dma_wait3A_39 : memref<8192x4096xf32, #tpu.memory_space<hbm>>) dst(%arg6 : memref<8x4096xf32, #tpu.memory_space<vmem>>)
    %add3A_40 = arith.constant 16 : i32
    %add3A_41 = arith.addi %mul3A_2, %add3A_40 : i32
    "tpu.region"() ({
      %run_scoped3A = tpu.sem_alloc : memref<!tpu.dma_semaphore, #tpu.memory_space<semaphore_mem>>
      %dma_start3A_193 = arith.constant 0 : i32
      %dma_start3A_194 = tpu.memref_slice %arg4[%add3A_41, %dma_start3A_193] : memref<4096x4096xf32, #tpu.memory_space<hbm>> -> memref<8x4096xf32, #tpu.memory_space<hbm>>
      %dma_start3A_195 = arith.constant 0 : i32
      %dma_start3A_196 = tpu.memref_slice %arg4[%add3A_41, %dma_start3A_195] : memref<4096x4096xf32, #tpu.memory_space<hbm>> -> memref<8x4096xf32, #tpu.memory_space<hbm>>
      tpu.enqueue_dma source(%arg6 : memref<8x4096xf32, #tpu.memory_space<vmem>>) target(%dma_start3A_196 : memref<8x4096xf32, #tpu.memory_space<hbm>>) target_semaphore(%run_scoped3A : memref<!tpu.dma_semaphore, #tpu.memory_space<semaphore_mem>>)
      %dma_wait3A_197 = arith.constant 0 : i32
      %dma_wait3A_198 = tpu.memref_slice %arg4[%add3A_41, %dma_wait3A_197] : memref<4096x4096xf32, #tpu.memory_space<hbm>> -> memref<8x4096xf32, #tpu.memory_space<hbm>>
      %dma_wait3A_199 = arith.constant 0 : i32
      %dma_wait3A_200 = tpu.memref_slice %arg4[%add3A_41, %dma_wait3A_199] : memref<4096x4096xf32, #tpu.memory_space<hbm>> -> memref<8x4096xf32, #tpu.memory_space<hbm>>
      tpu.wait_dma2 semaphore(%run_scoped3A : memref<!tpu.dma_semaphore, #tpu.memory_space<semaphore_mem>>) src(%arg6 : memref<8x4096xf32, #tpu.memory_space<vmem>>) dst(%dma_wait3A_200 : memref<8x4096xf32, #tpu.memory_space<hbm>>)
      tpu.yield
    }) : () -> ()
    %dma_start3A_42 = arith.constant 32 : i32
    %dma_start3A_43 = tpu.memref_slice %arg5[%dma_start3A_42] : memref<128xi32, #tpu.memory_space<vmem>> -> memref<8xi32, #tpu.memory_space<vmem>>
    %dma_start3A_44 = arith.constant 0 : i32
    %dma_start3A_45 = arith.constant 0 : i32
    %dma_start3A_46 = tpu.memref_slice %arg3[%dma_start3A_44, %dma_start3A_45] : memref<8192x4096xf32, #tpu.memory_space<hbm>> -> memref<8192x4096xf32, #tpu.memory_space<hbm>>
    tpu.enqueue_indirect_dma source(%dma_start3A_46 : memref<8192x4096xf32, #tpu.memory_space<hbm>>) target(%arg6 : memref<8x4096xf32, #tpu.memory_space<vmem>>) offsets(%dma_start3A_43 : memref<8xi32, #tpu.memory_space<vmem>>) semaphore(%arg8 : memref<!tpu.dma_semaphore, #tpu.memory_space<semaphore_mem>>)
    %dma_wait3A_47 = arith.constant 24 : i32
    %dma_wait3A_48 = tpu.memref_slice %arg5[%dma_wait3A_47] : memref<128xi32, #tpu.memory_space<vmem>> -> memref<8xi32, #tpu.memory_space<vmem>>
    %dma_wait3A_49 = arith.constant 0 : i32
    %dma_wait3A_50 = arith.constant 0 : i32
    %dma_wait3A_51 = tpu.memref_slice %arg3[%dma_wait3A_49, %dma_wait3A_50] : memref<8192x4096xf32, #tpu.memory_space<hbm>> -> memref<8192x4096xf32, #tpu.memory_space<hbm>>
    tpu.wait_indirect_dma semaphore(%arg9 : memref<!tpu.dma_semaphore, #tpu.memory_space<semaphore_mem>>) src(%dma_wait3A_51 : memref<8192x4096xf32, #tpu.memory_space<hbm>>) dst(%arg7 : memref<8x4096xf32, #tpu.memory_space<vmem>>)
    %add3A_52 = arith.constant 24 : i32
    %add3A_53 = arith.addi %mul3A_2, %add3A_52 : i32
    "tpu.region"() ({
      %run_scoped3A = tpu.sem_alloc : memref<!tpu.dma_semaphore, #tpu.memory_space<semaphore_mem>>
      %dma_start3A_193 = arith.constant 0 : i32
      %dma_start3A_194 = tpu.memref_slice %arg4[%add3A_53, %dma_start3A_193] : memref<4096x4096xf32, #tpu.memory_space<hbm>> -> memref<8x4096xf32, #tpu.memory_space<hbm>>
      %dma_start3A_195 = arith.constant 0 : i32
      %dma_start3A_196 = tpu.memref_slice %arg4[%add3A_53, %dma_start3A_195] : memref<4096x4096xf32, #tpu.memory_space<hbm>> -> memref<8x4096xf32, #tpu.memory_space<hbm>>
      tpu.enqueue_dma source(%arg7 : memref<8x4096xf32, #tpu.memory_space<vmem>>) target(%dma_start3A_196 : memref<8x4096xf32, #tpu.memory_space<hbm>>) target_semaphore(%run_scoped3A : memref<!tpu.dma_semaphore, #tpu.memory_space<semaphore_mem>>)
      %dma_wait3A_197 = arith.constant 0 : i32
      %dma_wait3A_198 = tpu.memref_slice %arg4[%add3A_53, %dma_wait3A_197] : memref<4096x4096xf32, #tpu.memory_space<hbm>> -> memref<8x4096xf32, #tpu.memory_space<hbm>>
      %dma_wait3A_199 = arith.constant 0 : i32
      %dma_wait3A_200 = tpu.memref_slice %arg4[%add3A_53, %dma_wait3A_199] : memref<4096x4096xf32, #tpu.memory_space<hbm>> -> memref<8x4096xf32, #tpu.memory_space<hbm>>
      tpu.wait_dma2 semaphore(%run_scoped3A : memref<!tpu.dma_semaphore, #tpu.memory_space<semaphore_mem>>) src(%arg7 : memref<8x4096xf32, #tpu.memory_space<vmem>>) dst(%dma_wait3A_200 : memref<8x4096xf32, #tpu.memory_space<hbm>>)
      tpu.yield
    }) : () -> ()
    %dma_start3A_54 = arith.constant 40 : i32
    %dma_start3A_55 = tpu.memref_slice %arg5[%dma_start3A_54] : memref<128xi32, #tpu.memory_space<vmem>> -> memref<8xi32, #tpu.memory_space<vmem>>
    %dma_start3A_56 = arith.constant 0 : i32
    %dma_start3A_57 = arith.constant 0 : i32
    %dma_start3A_58 = tpu.memref_slice %arg3[%dma_start3A_56, %dma_start3A_57] : memref<8192x4096xf32, #tpu.memory_space<hbm>> -> memref<8192x4096xf32, #tpu.memory_space<hbm>>
    tpu.enqueue_indirect_dma source(%dma_start3A_58 : memref<8192x4096xf32, #tpu.memory_space<hbm>>) target(%arg7 : memref<8x4096xf32, #tpu.memory_space<vmem>>) offsets(%dma_start3A_55 : memref<8xi32, #tpu.memory_space<vmem>>) semaphore(%arg9 : memref<!tpu.dma_semaphore, #tpu.memory_space<semaphore_mem>>)
    %dma_wait3A_59 = arith.constant 32 : i32
    %dma_wait3A_60 = tpu.memref_slice %arg5[%dma_wait3A_59] : memref<128xi32, #tpu.memory_space<vmem>> -> memref<8xi32, #tpu.memory_space<vmem>>
    %dma_wait3A_61 = arith.constant 0 : i32
    %dma_wait3A_62 = arith.constant 0 : i32
    %dma_wait3A_63 = tpu.memref_slice %arg3[%dma_wait3A_61, %dma_wait3A_62] : memref<8192x4096xf32, #tpu.memory_space<hbm>> -> memref<8192x4096xf32, #tpu.memory_space<hbm>>
    tpu.wait_indirect_dma semaphore(%arg8 : memref<!tpu.dma_semaphore, #tpu.memory_space<semaphore_mem>>) src(%dma_wait3A_63 : memref<8192x4096xf32, #tpu.memory_space<hbm>>) dst(%arg6 : memref<8x4096xf32, #tpu.memory_space<vmem>>)
    %add3A_64 = arith.constant 32 : i32
    %add3A_65 = arith.addi %mul3A_2, %add3A_64 : i32
    "tpu.region"() ({
      %run_scoped3A = tpu.sem_alloc : memref<!tpu.dma_semaphore, #tpu.memory_space<semaphore_mem>>
      %dma_start3A_193 = arith.constant 0 : i32
      %dma_start3A_194 = tpu.memref_slice %arg4[%add3A_65, %dma_start3A_193] : memref<4096x4096xf32, #tpu.memory_space<hbm>> -> memref<8x4096xf32, #tpu.memory_space<hbm>>
      %dma_start3A_195 = arith.constant 0 : i32
      %dma_start3A_196 = tpu.memref_slice %arg4[%add3A_65, %dma_start3A_195] : memref<4096x4096xf32, #tpu.memory_space<hbm>> -> memref<8x4096xf32, #tpu.memory_space<hbm>>
      tpu.enqueue_dma source(%arg6 : memref<8x4096xf32, #tpu.memory_space<vmem>>) target(%dma_start3A_196 : memref<8x4096xf32, #tpu.memory_space<hbm>>) target_semaphore(%run_scoped3A : memref<!tpu.dma_semaphore, #tpu.memory_space<semaphore_mem>>)
      %dma_wait3A_197 = arith.constant 0 : i32
      %dma_wait3A_198 = tpu.memref_slice %arg4[%add3A_65, %dma_wait3A_197] : memref<4096x4096xf32, #tpu.memory_space<hbm>> -> memref<8x4096xf32, #tpu.memory_space<hbm>>
      %dma_wait3A_199 = arith.constant 0 : i32
      %dma_wait3A_200 = tpu.memref_slice %arg4[%add3A_65, %dma_wait3A_199] : memref<4096x4096xf32, #tpu.memory_space<hbm>> -> memref<8x4096xf32, #tpu.memory_space<hbm>>
      tpu.wait_dma2 semaphore(%run_scoped3A : memref<!tpu.dma_semaphore, #tpu.memory_space<semaphore_mem>>) src(%arg6 : memref<8x4096xf32, #tpu.memory_space<vmem>>) dst(%dma_wait3A_200 : memref<8x4096xf32, #tpu.memory_space<hbm>>)
      tpu.yield
    }) : () -> ()
    %dma_start3A_66 = arith.constant 48 : i32
    %dma_start3A_67 = tpu.memref_slice %arg5[%dma_start3A_66] : memref<128xi32, #tpu.memory_space<vmem>> -> memref<8xi32, #tpu.memory_space<vmem>>
    %dma_start3A_68 = arith.constant 0 : i32
    %dma_start3A_69 = arith.constant 0 : i32
    %dma_start3A_70 = tpu.memref_slice %arg3[%dma_start3A_68, %dma_start3A_69] : memref<8192x4096xf32, #tpu.memory_space<hbm>> -> memref<8192x4096xf32, #tpu.memory_space<hbm>>
    tpu.enqueue_indirect_dma source(%dma_start3A_70 : memref<8192x4096xf32, #tpu.memory_space<hbm>>) target(%arg6 : memref<8x4096xf32, #tpu.memory_space<vmem>>) offsets(%dma_start3A_67 : memref<8xi32, #tpu.memory_space<vmem>>) semaphore(%arg8 : memref<!tpu.dma_semaphore, #tpu.memory_space<semaphore_mem>>)
    %dma_wait3A_71 = arith.constant 40 : i32
    %dma_wait3A_72 = tpu.memref_slice %arg5[%dma_wait3A_71] : memref<128xi32, #tpu.memory_space<vmem>> -> memref<8xi32, #tpu.memory_space<vmem>>
    %dma_wait3A_73 = arith.constant 0 : i32
    %dma_wait3A_74 = arith.constant 0 : i32
    %dma_wait3A_75 = tpu.memref_slice %arg3[%dma_wait3A_73, %dma_wait3A_74] : memref<8192x4096xf32, #tpu.memory_space<hbm>> -> memref<8192x4096xf32, #tpu.memory_space<hbm>>
    tpu.wait_indirect_dma semaphore(%arg9 : memref<!tpu.dma_semaphore, #tpu.memory_space<semaphore_mem>>) src(%dma_wait3A_75 : memref<8192x4096xf32, #tpu.memory_space<hbm>>) dst(%arg7 : memref<8x4096xf32, #tpu.memory_space<vmem>>)
    %add3A_76 = arith.constant 40 : i32
    %add3A_77 = arith.addi %mul3A_2, %add3A_76 : i32
    "tpu.region"() ({
      %run_scoped3A = tpu.sem_alloc : memref<!tpu.dma_semaphore, #tpu.memory_space<semaphore_mem>>
      %dma_start3A_193 = arith.constant 0 : i32
      %dma_start3A_194 = tpu.memref_slice %arg4[%add3A_77, %dma_start3A_193] : memref<4096x4096xf32, #tpu.memory_space<hbm>> -> memref<8x4096xf32, #tpu.memory_space<hbm>>
      %dma_start3A_195 = arith.constant 0 : i32
      %dma_start3A_196 = tpu.memref_slice %arg4[%add3A_77, %dma_start3A_195] : memref<4096x4096xf32, #tpu.memory_space<hbm>> -> memref<8x4096xf32, #tpu.memory_space<hbm>>
      tpu.enqueue_dma source(%arg7 : memref<8x4096xf32, #tpu.memory_space<vmem>>) target(%dma_start3A_196 : memref<8x4096xf32, #tpu.memory_space<hbm>>) target_semaphore(%run_scoped3A : memref<!tpu.dma_semaphore, #tpu.memory_space<semaphore_mem>>)
      %dma_wait3A_197 = arith.constant 0 : i32
      %dma_wait3A_198 = tpu.memref_slice %arg4[%add3A_77, %dma_wait3A_197] : memref<4096x4096xf32, #tpu.memory_space<hbm>> -> memref<8x4096xf32, #tpu.memory_space<hbm>>
      %dma_wait3A_199 = arith.constant 0 : i32
      %dma_wait3A_200 = tpu.memref_slice %arg4[%add3A_77, %dma_wait3A_199] : memref<4096x4096xf32, #tpu.memory_space<hbm>> -> memref<8x4096xf32, #tpu.memory_space<hbm>>
      tpu.wait_dma2 semaphore(%run_scoped3A : memref<!tpu.dma_semaphore, #tpu.memory_space<semaphore_mem>>) src(%arg7 : memref<8x4096xf32, #tpu.memory_space<vmem>>) dst(%dma_wait3A_200 : memref<8x4096xf32, #tpu.memory_space<hbm>>)
      tpu.yield
    }) : () -> ()
    %dma_start3A_78 = arith.constant 56 : i32
    %dma_start3A_79 = tpu.memref_slice %arg5[%dma_start3A_78] : memref<128xi32, #tpu.memory_space<vmem>> -> memref<8xi32, #tpu.memory_space<vmem>>
    %dma_start3A_80 = arith.constant 0 : i32
    %dma_start3A_81 = arith.constant 0 : i32
    %dma_start3A_82 = tpu.memref_slice %arg3[%dma_start3A_80, %dma_start3A_81] : memref<8192x4096xf32, #tpu.memory_space<hbm>> -> memref<8192x4096xf32, #tpu.memory_space<hbm>>
    tpu.enqueue_indirect_dma source(%dma_start3A_82 : memref<8192x4096xf32, #tpu.memory_space<hbm>>) target(%arg7 : memref<8x4096xf32, #tpu.memory_space<vmem>>) offsets(%dma_start3A_79 : memref<8xi32, #tpu.memory_space<vmem>>) semaphore(%arg9 : memref<!tpu.dma_semaphore, #tpu.memory_space<semaphore_mem>>)
    %dma_wait3A_83 = arith.constant 48 : i32
    %dma_wait3A_84 = tpu.memref_slice %arg5[%dma_wait3A_83] : memref<128xi32, #tpu.memory_space<vmem>> -> memref<8xi32, #tpu.memory_space<vmem>>
    %dma_wait3A_85 = arith.constant 0 : i32
    %dma_wait3A_86 = arith.constant 0 : i32
    %dma_wait3A_87 = tpu.memref_slice %arg3[%dma_wait3A_85, %dma_wait3A_86] : memref<8192x4096xf32, #tpu.memory_space<hbm>> -> memref<8192x4096xf32, #tpu.memory_space<hbm>>
    tpu.wait_indirect_dma semaphore(%arg8 : memref<!tpu.dma_semaphore, #tpu.memory_space<semaphore_mem>>) src(%dma_wait3A_87 : memref<8192x4096xf32, #tpu.memory_space<hbm>>) dst(%arg6 : memref<8x4096xf32, #tpu.memory_space<vmem>>)
    %add3A_88 = arith.constant 48 : i32
    %add3A_89 = arith.addi %mul3A_2, %add3A_88 : i32
    "tpu.region"() ({
      %run_scoped3A = tpu.sem_alloc : memref<!tpu.dma_semaphore, #tpu.memory_space<semaphore_mem>>
      %dma_start3A_193 = arith.constant 0 : i32
      %dma_start3A_194 = tpu.memref_slice %arg4[%add3A_89, %dma_start3A_193] : memref<4096x4096xf32, #tpu.memory_space<hbm>> -> memref<8x4096xf32, #tpu.memory_space<hbm>>
      %dma_start3A_195 = arith.constant 0 : i32
      %dma_start3A_196 = tpu.memref_slice %arg4[%add3A_89, %dma_start3A_195] : memref<4096x4096xf32, #tpu.memory_space<hbm>> -> memref<8x4096xf32, #tpu.memory_space<hbm>>
      tpu.enqueue_dma source(%arg6 : memref<8x4096xf32, #tpu.memory_space<vmem>>) target(%dma_start3A_196 : memref<8x4096xf32, #tpu.memory_space<hbm>>) target_semaphore(%run_scoped3A : memref<!tpu.dma_semaphore, #tpu.memory_space<semaphore_mem>>)
      %dma_wait3A_197 = arith.constant 0 : i32
      %dma_wait3A_198 = tpu.memref_slice %arg4[%add3A_89, %dma_wait3A_197] : memref<4096x4096xf32, #tpu.memory_space<hbm>> -> memref<8x4096xf32, #tpu.memory_space<hbm>>
      %dma_wait3A_199 = arith.constant 0 : i32
      %dma_wait3A_200 = tpu.memref_slice %arg4[%add3A_89, %dma_wait3A_199] : memref<4096x4096xf32, #tpu.memory_space<hbm>> -> memref<8x4096xf32, #tpu.memory_space<hbm>>
      tpu.wait_dma2 semaphore(%run_scoped3A : memref<!tpu.dma_semaphore, #tpu.memory_space<semaphore_mem>>) src(%arg6 : memref<8x4096xf32, #tpu.memory_space<vmem>>) dst(%dma_wait3A_200 : memref<8x4096xf32, #tpu.memory_space<hbm>>)
      tpu.yield
    }) : () -> ()
    %dma_start3A_90 = arith.constant 64 : i32
    %dma_start3A_91 = tpu.memref_slice %arg5[%dma_start3A_90] : memref<128xi32, #tpu.memory_space<vmem>> -> memref<8xi32, #tpu.memory_space<vmem>>
    %dma_start3A_92 = arith.constant 0 : i32
    %dma_start3A_93 = arith.constant 0 : i32
    %dma_start3A_94 = tpu.memref_slice %arg3[%dma_start3A_92, %dma_start3A_93] : memref<8192x4096xf32, #tpu.memory_space<hbm>> -> memref<8192x4096xf32, #tpu.memory_space<hbm>>
    tpu.enqueue_indirect_dma source(%dma_start3A_94 : memref<8192x4096xf32, #tpu.memory_space<hbm>>) target(%arg6 : memref<8x4096xf32, #tpu.memory_space<vmem>>) offsets(%dma_start3A_91 : memref<8xi32, #tpu.memory_space<vmem>>) semaphore(%arg8 : memref<!tpu.dma_semaphore, #tpu.memory_space<semaphore_mem>>)
    %dma_wait3A_95 = arith.constant 56 : i32
    %dma_wait3A_96 = tpu.memref_slice %arg5[%dma_wait3A_95] : memref<128xi32, #tpu.memory_space<vmem>> -> memref<8xi32, #tpu.memory_space<vmem>>
    %dma_wait3A_97 = arith.constant 0 : i32
    %dma_wait3A_98 = arith.constant 0 : i32
    %dma_wait3A_99 = tpu.memref_slice %arg3[%dma_wait3A_97, %dma_wait3A_98] : memref<8192x4096xf32, #tpu.memory_space<hbm>> -> memref<8192x4096xf32, #tpu.memory_space<hbm>>
    tpu.wait_indirect_dma semaphore(%arg9 : memref<!tpu.dma_semaphore, #tpu.memory_space<semaphore_mem>>) src(%dma_wait3A_99 : memref<8192x4096xf32, #tpu.memory_space<hbm>>) dst(%arg7 : memref<8x4096xf32, #tpu.memory_space<vmem>>)
    %add3A_100 = arith.constant 56 : i32
    %add3A_101 = arith.addi %mul3A_2, %add3A_100 : i32
    "tpu.region"() ({
      %run_scoped3A = tpu.sem_alloc : memref<!tpu.dma_semaphore, #tpu.memory_space<semaphore_mem>>
      %dma_start3A_193 = arith.constant 0 : i32
      %dma_start3A_194 = tpu.memref_slice %arg4[%add3A_101, %dma_start3A_193] : memref<4096x4096xf32, #tpu.memory_space<hbm>> -> memref<8x4096xf32, #tpu.memory_space<hbm>>
      %dma_start3A_195 = arith.constant 0 : i32
      %dma_start3A_196 = tpu.memref_slice %arg4[%add3A_101, %dma_start3A_195] : memref<4096x4096xf32, #tpu.memory_space<hbm>> -> memref<8x4096xf32, #tpu.memory_space<hbm>>
      tpu.enqueue_dma source(%arg7 : memref<8x4096xf32, #tpu.memory_space<vmem>>) target(%dma_start3A_196 : memref<8x4096xf32, #tpu.memory_space<hbm>>) target_semaphore(%run_scoped3A : memref<!tpu.dma_semaphore, #tpu.memory_space<semaphore_mem>>)
      %dma_wait3A_197 = arith.constant 0 : i32
      %dma_wait3A_198 = tpu.memref_slice %arg4[%add3A_101, %dma_wait3A_197] : memref<4096x4096xf32, #tpu.memory_space<hbm>> -> memref<8x4096xf32, #tpu.memory_space<hbm>>
      %dma_wait3A_199 = arith.constant 0 : i32
      %dma_wait3A_200 = tpu.memref_slice %arg4[%add3A_101, %dma_wait3A_199] : memref<4096x4096xf32, #tpu.memory_space<hbm>> -> memref<8x4096xf32, #tpu.memory_space<hbm>>
      tpu.wait_dma2 semaphore(%run_scoped3A : memref<!tpu.dma_semaphore, #tpu.memory_space<semaphore_mem>>) src(%arg7 : memref<8x4096xf32, #tpu.memory_space<vmem>>) dst(%dma_wait3A_200 : memref<8x4096xf32, #tpu.memory_space<hbm>>)
      tpu.yield
    }) : () -> ()
    %dma_start3A_102 = arith.constant 72 : i32
    %dma_start3A_103 = tpu.memref_slice %arg5[%dma_start3A_102] : memref<128xi32, #tpu.memory_space<vmem>> -> memref<8xi32, #tpu.memory_space<vmem>>
    %dma_start3A_104 = arith.constant 0 : i32
    %dma_start3A_105 = arith.constant 0 : i32
    %dma_start3A_106 = tpu.memref_slice %arg3[%dma_start3A_104, %dma_start3A_105] : memref<8192x4096xf32, #tpu.memory_space<hbm>> -> memref<8192x4096xf32, #tpu.memory_space<hbm>>
    tpu.enqueue_indirect_dma source(%dma_start3A_106 : memref<8192x4096xf32, #tpu.memory_space<hbm>>) target(%arg7 : memref<8x4096xf32, #tpu.memory_space<vmem>>) offsets(%dma_start3A_103 : memref<8xi32, #tpu.memory_space<vmem>>) semaphore(%arg9 : memref<!tpu.dma_semaphore, #tpu.memory_space<semaphore_mem>>)
    %dma_wait3A_107 = arith.constant 64 : i32
    %dma_wait3A_108 = tpu.memref_slice %arg5[%dma_wait3A_107] : memref<128xi32, #tpu.memory_space<vmem>> -> memref<8xi32, #tpu.memory_space<vmem>>
    %dma_wait3A_109 = arith.constant 0 : i32
    %dma_wait3A_110 = arith.constant 0 : i32
    %dma_wait3A_111 = tpu.memref_slice %arg3[%dma_wait3A_109, %dma_wait3A_110] : memref<8192x4096xf32, #tpu.memory_space<hbm>> -> memref<8192x4096xf32, #tpu.memory_space<hbm>>
    tpu.wait_indirect_dma semaphore(%arg8 : memref<!tpu.dma_semaphore, #tpu.memory_space<semaphore_mem>>) src(%dma_wait3A_111 : memref<8192x4096xf32, #tpu.memory_space<hbm>>) dst(%arg6 : memref<8x4096xf32, #tpu.memory_space<vmem>>)
    %add3A_112 = arith.constant 64 : i32
    %add3A_113 = arith.addi %mul3A_2, %add3A_112 : i32
    "tpu.region"() ({
      %run_scoped3A = tpu.sem_alloc : memref<!tpu.dma_semaphore, #tpu.memory_space<semaphore_mem>>
      %dma_start3A_193 = arith.constant 0 : i32
      %dma_start3A_194 = tpu.memref_slice %arg4[%add3A_113, %dma_start3A_193] : memref<4096x4096xf32, #tpu.memory_space<hbm>> -> memref<8x4096xf32, #tpu.memory_space<hbm>>
      %dma_start3A_195 = arith.constant 0 : i32
      %dma_start3A_196 = tpu.memref_slice %arg4[%add3A_113, %dma_start3A_195] : memref<4096x4096xf32, #tpu.memory_space<hbm>> -> memref<8x4096xf32, #tpu.memory_space<hbm>>
      tpu.enqueue_dma source(%arg6 : memref<8x4096xf32, #tpu.memory_space<vmem>>) target(%dma_start3A_196 : memref<8x4096xf32, #tpu.memory_space<hbm>>) target_semaphore(%run_scoped3A : memref<!tpu.dma_semaphore, #tpu.memory_space<semaphore_mem>>)
      %dma_wait3A_197 = arith.constant 0 : i32
      %dma_wait3A_198 = tpu.memref_slice %arg4[%add3A_113, %dma_wait3A_197] : memref<4096x4096xf32, #tpu.memory_space<hbm>> -> memref<8x4096xf32, #tpu.memory_space<hbm>>
      %dma_wait3A_199 = arith.constant 0 : i32
      %dma_wait3A_200 = tpu.memref_slice %arg4[%add3A_113, %dma_wait3A_199] : memref<4096x4096xf32, #tpu.memory_space<hbm>> -> memref<8x4096xf32, #tpu.memory_space<hbm>>
      tpu.wait_dma2 semaphore(%run_scoped3A : memref<!tpu.dma_semaphore, #tpu.memory_space<semaphore_mem>>) src(%arg6 : memref<8x4096xf32, #tpu.memory_space<vmem>>) dst(%dma_wait3A_200 : memref<8x4096xf32, #tpu.memory_space<hbm>>)
      tpu.yield
    }) : () -> ()
    %dma_start3A_114 = arith.constant 80 : i32
    %dma_start3A_115 = tpu.memref_slice %arg5[%dma_start3A_114] : memref<128xi32, #tpu.memory_space<vmem>> -> memref<8xi32, #tpu.memory_space<vmem>>
    %dma_start3A_116 = arith.constant 0 : i32
    %dma_start3A_117 = arith.constant 0 : i32
    %dma_start3A_118 = tpu.memref_slice %arg3[%dma_start3A_116, %dma_start3A_117] : memref<8192x4096xf32, #tpu.memory_space<hbm>> -> memref<8192x4096xf32, #tpu.memory_space<hbm>>
    tpu.enqueue_indirect_dma source(%dma_start3A_118 : memref<8192x4096xf32, #tpu.memory_space<hbm>>) target(%arg6 : memref<8x4096xf32, #tpu.memory_space<vmem>>) offsets(%dma_start3A_115 : memref<8xi32, #tpu.memory_space<vmem>>) semaphore(%arg8 : memref<!tpu.dma_semaphore, #tpu.memory_space<semaphore_mem>>)
    %dma_wait3A_119 = arith.constant 72 : i32
    %dma_wait3A_120 = tpu.memref_slice %arg5[%dma_wait3A_119] : memref<128xi32, #tpu.memory_space<vmem>> -> memref<8xi32, #tpu.memory_space<vmem>>
    %dma_wait3A_121 = arith.constant 0 : i32
    %dma_wait3A_122 = arith.constant 0 : i32
    %dma_wait3A_123 = tpu.memref_slice %arg3[%dma_wait3A_121, %dma_wait3A_122] : memref<8192x4096xf32, #tpu.memory_space<hbm>> -> memref<8192x4096xf32, #tpu.memory_space<hbm>>
    tpu.wait_indirect_dma semaphore(%arg9 : memref<!tpu.dma_semaphore, #tpu.memory_space<semaphore_mem>>) src(%dma_wait3A_123 : memref<8192x4096xf32, #tpu.memory_space<hbm>>) dst(%arg7 : memref<8x4096xf32, #tpu.memory_space<vmem>>)
    %add3A_124 = arith.constant 72 : i32
    %add3A_125 = arith.addi %mul3A_2, %add3A_124 : i32
    "tpu.region"() ({
      %run_scoped3A = tpu.sem_alloc : memref<!tpu.dma_semaphore, #tpu.memory_space<semaphore_mem>>
      %dma_start3A_193 = arith.constant 0 : i32
      %dma_start3A_194 = tpu.memref_slice %arg4[%add3A_125, %dma_start3A_193] : memref<4096x4096xf32, #tpu.memory_space<hbm>> -> memref<8x4096xf32, #tpu.memory_space<hbm>>
      %dma_start3A_195 = arith.constant 0 : i32
      %dma_start3A_196 = tpu.memref_slice %arg4[%add3A_125, %dma_start3A_195] : memref<4096x4096xf32, #tpu.memory_space<hbm>> -> memref<8x4096xf32, #tpu.memory_space<hbm>>
      tpu.enqueue_dma source(%arg7 : memref<8x4096xf32, #tpu.memory_space<vmem>>) target(%dma_start3A_196 : memref<8x4096xf32, #tpu.memory_space<hbm>>) target_semaphore(%run_scoped3A : memref<!tpu.dma_semaphore, #tpu.memory_space<semaphore_mem>>)
      %dma_wait3A_197 = arith.constant 0 : i32
      %dma_wait3A_198 = tpu.memref_slice %arg4[%add3A_125, %dma_wait3A_197] : memref<4096x4096xf32, #tpu.memory_space<hbm>> -> memref<8x4096xf32, #tpu.memory_space<hbm>>
      %dma_wait3A_199 = arith.constant 0 : i32
      %dma_wait3A_200 = tpu.memref_slice %arg4[%add3A_125, %dma_wait3A_199] : memref<4096x4096xf32, #tpu.memory_space<hbm>> -> memref<8x4096xf32, #tpu.memory_space<hbm>>
      tpu.wait_dma2 semaphore(%run_scoped3A : memref<!tpu.dma_semaphore, #tpu.memory_space<semaphore_mem>>) src(%arg7 : memref<8x4096xf32, #tpu.memory_space<vmem>>) dst(%dma_wait3A_200 : memref<8x4096xf32, #tpu.memory_space<hbm>>)
      tpu.yield
    }) : () -> ()
    %dma_start3A_126 = arith.constant 88 : i32
    %dma_start3A_127 = tpu.memref_slice %arg5[%dma_start3A_126] : memref<128xi32, #tpu.memory_space<vmem>> -> memref<8xi32, #tpu.memory_space<vmem>>
    %dma_start3A_128 = arith.constant 0 : i32
    %dma_start3A_129 = arith.constant 0 : i32
    %dma_start3A_130 = tpu.memref_slice %arg3[%dma_start3A_128, %dma_start3A_129] : memref<8192x4096xf32, #tpu.memory_space<hbm>> -> memref<8192x4096xf32, #tpu.memory_space<hbm>>
    tpu.enqueue_indirect_dma source(%dma_start3A_130 : memref<8192x4096xf32, #tpu.memory_space<hbm>>) target(%arg7 : memref<8x4096xf32, #tpu.memory_space<vmem>>) offsets(%dma_start3A_127 : memref<8xi32, #tpu.memory_space<vmem>>) semaphore(%arg9 : memref<!tpu.dma_semaphore, #tpu.memory_space<semaphore_mem>>)
    %dma_wait3A_131 = arith.constant 80 : i32
    %dma_wait3A_132 = tpu.memref_slice %arg5[%dma_wait3A_131] : memref<128xi32, #tpu.memory_space<vmem>> -> memref<8xi32, #tpu.memory_space<vmem>>
    %dma_wait3A_133 = arith.constant 0 : i32
    %dma_wait3A_134 = arith.constant 0 : i32
    %dma_wait3A_135 = tpu.memref_slice %arg3[%dma_wait3A_133, %dma_wait3A_134] : memref<8192x4096xf32, #tpu.memory_space<hbm>> -> memref<8192x4096xf32, #tpu.memory_space<hbm>>
    tpu.wait_indirect_dma semaphore(%arg8 : memref<!tpu.dma_semaphore, #tpu.memory_space<semaphore_mem>>) src(%dma_wait3A_135 : memref<8192x4096xf32, #tpu.memory_space<hbm>>) dst(%arg6 : memref<8x4096xf32, #tpu.memory_space<vmem>>)
    %add3A_136 = arith.constant 80 : i32
    %add3A_137 = arith.addi %mul3A_2, %add3A_136 : i32
    "tpu.region"() ({
      %run_scoped3A = tpu.sem_alloc : memref<!tpu.dma_semaphore, #tpu.memory_space<semaphore_mem>>
      %dma_start3A_193 = arith.constant 0 : i32
      %dma_start3A_194 = tpu.memref_slice %arg4[%add3A_137, %dma_start3A_193] : memref<4096x4096xf32, #tpu.memory_space<hbm>> -> memref<8x4096xf32, #tpu.memory_space<hbm>>
      %dma_start3A_195 = arith.constant 0 : i32
      %dma_start3A_196 = tpu.memref_slice %arg4[%add3A_137, %dma_start3A_195] : memref<4096x4096xf32, #tpu.memory_space<hbm>> -> memref<8x4096xf32, #tpu.memory_space<hbm>>
      tpu.enqueue_dma source(%arg6 : memref<8x4096xf32, #tpu.memory_space<vmem>>) target(%dma_start3A_196 : memref<8x4096xf32, #tpu.memory_space<hbm>>) target_semaphore(%run_scoped3A : memref<!tpu.dma_semaphore, #tpu.memory_space<semaphore_mem>>)
      %dma_wait3A_197 = arith.constant 0 : i32
      %dma_wait3A_198 = tpu.memref_slice %arg4[%add3A_137, %dma_wait3A_197] : memref<4096x4096xf32, #tpu.memory_space<hbm>> -> memref<8x4096xf32, #tpu.memory_space<hbm>>
      %dma_wait3A_199 = arith.constant 0 : i32
      %dma_wait3A_200 = tpu.memref_slice %arg4[%add3A_137, %dma_wait3A_199] : memref<4096x4096xf32, #tpu.memory_space<hbm>> -> memref<8x4096xf32, #tpu.memory_space<hbm>>
      tpu.wait_dma2 semaphore(%run_scoped3A : memref<!tpu.dma_semaphore, #tpu.memory_space<semaphore_mem>>) src(%arg6 : memref<8x4096xf32, #tpu.memory_space<vmem>>) dst(%dma_wait3A_200 : memref<8x4096xf32, #tpu.memory_space<hbm>>)
      tpu.yield
    }) : () -> ()
    %dma_start3A_138 = arith.constant 96 : i32
    %dma_start3A_139 = tpu.memref_slice %arg5[%dma_start3A_138] : memref<128xi32, #tpu.memory_space<vmem>> -> memref<8xi32, #tpu.memory_space<vmem>>
    %dma_start3A_140 = arith.constant 0 : i32
    %dma_start3A_141 = arith.constant 0 : i32
    %dma_start3A_142 = tpu.memref_slice %arg3[%dma_start3A_140, %dma_start3A_141] : memref<8192x4096xf32, #tpu.memory_space<hbm>> -> memref<8192x4096xf32, #tpu.memory_space<hbm>>
    tpu.enqueue_indirect_dma source(%dma_start3A_142 : memref<8192x4096xf32, #tpu.memory_space<hbm>>) target(%arg6 : memref<8x4096xf32, #tpu.memory_space<vmem>>) offsets(%dma_start3A_139 : memref<8xi32, #tpu.memory_space<vmem>>) semaphore(%arg8 : memref<!tpu.dma_semaphore, #tpu.memory_space<semaphore_mem>>)
    %dma_wait3A_143 = arith.constant 88 : i32
    %dma_wait3A_144 = tpu.memref_slice %arg5[%dma_wait3A_143] : memref<128xi32, #tpu.memory_space<vmem>> -> memref<8xi32, #tpu.memory_space<vmem>>
    %dma_wait3A_145 = arith.constant 0 : i32
    %dma_wait3A_146 = arith.constant 0 : i32
    %dma_wait3A_147 = tpu.memref_slice %arg3[%dma_wait3A_145, %dma_wait3A_146] : memref<8192x4096xf32, #tpu.memory_space<hbm>> -> memref<8192x4096xf32, #tpu.memory_space<hbm>>
    tpu.wait_indirect_dma semaphore(%arg9 : memref<!tpu.dma_semaphore, #tpu.memory_space<semaphore_mem>>) src(%dma_wait3A_147 : memref<8192x4096xf32, #tpu.memory_space<hbm>>) dst(%arg7 : memref<8x4096xf32, #tpu.memory_space<vmem>>)
    %add3A_148 = arith.constant 88 : i32
    %add3A_149 = arith.addi %mul3A_2, %add3A_148 : i32
    "tpu.region"() ({
      %run_scoped3A = tpu.sem_alloc : memref<!tpu.dma_semaphore, #tpu.memory_space<semaphore_mem>>
      %dma_start3A_193 = arith.constant 0 : i32
      %dma_start3A_194 = tpu.memref_slice %arg4[%add3A_149, %dma_start3A_193] : memref<4096x4096xf32, #tpu.memory_space<hbm>> -> memref<8x4096xf32, #tpu.memory_space<hbm>>
      %dma_start3A_195 = arith.constant 0 : i32
      %dma_start3A_196 = tpu.memref_slice %arg4[%add3A_149, %dma_start3A_195] : memref<4096x4096xf32, #tpu.memory_space<hbm>> -> memref<8x4096xf32, #tpu.memory_space<hbm>>
      tpu.enqueue_dma source(%arg7 : memref<8x4096xf32, #tpu.memory_space<vmem>>) target(%dma_start3A_196 : memref<8x4096xf32, #tpu.memory_space<hbm>>) target_semaphore(%run_scoped3A : memref<!tpu.dma_semaphore, #tpu.memory_space<semaphore_mem>>)
      %dma_wait3A_197 = arith.constant 0 : i32
      %dma_wait3A_198 = tpu.memref_slice %arg4[%add3A_149, %dma_wait3A_197] : memref<4096x4096xf32, #tpu.memory_space<hbm>> -> memref<8x4096xf32, #tpu.memory_space<hbm>>
      %dma_wait3A_199 = arith.constant 0 : i32
      %dma_wait3A_200 = tpu.memref_slice %arg4[%add3A_149, %dma_wait3A_199] : memref<4096x4096xf32, #tpu.memory_space<hbm>> -> memref<8x4096xf32, #tpu.memory_space<hbm>>
      tpu.wait_dma2 semaphore(%run_scoped3A : memref<!tpu.dma_semaphore, #tpu.memory_space<semaphore_mem>>) src(%arg7 : memref<8x4096xf32, #tpu.memory_space<vmem>>) dst(%dma_wait3A_200 : memref<8x4096xf32, #tpu.memory_space<hbm>>)
      tpu.yield
    }) : () -> ()
    %dma_start3A_150 = arith.constant 104 : i32
    %dma_start3A_151 = tpu.memref_slice %arg5[%dma_start3A_150] : memref<128xi32, #tpu.memory_space<vmem>> -> memref<8xi32, #tpu.memory_space<vmem>>
    %dma_start3A_152 = arith.constant 0 : i32
    %dma_start3A_153 = arith.constant 0 : i32
    %dma_start3A_154 = tpu.memref_slice %arg3[%dma_start3A_152, %dma_start3A_153] : memref<8192x4096xf32, #tpu.memory_space<hbm>> -> memref<8192x4096xf32, #tpu.memory_space<hbm>>
    tpu.enqueue_indirect_dma source(%dma_start3A_154 : memref<8192x4096xf32, #tpu.memory_space<hbm>>) target(%arg7 : memref<8x4096xf32, #tpu.memory_space<vmem>>) offsets(%dma_start3A_151 : memref<8xi32, #tpu.memory_space<vmem>>) semaphore(%arg9 : memref<!tpu.dma_semaphore, #tpu.memory_space<semaphore_mem>>)
    %dma_wait3A_155 = arith.constant 96 : i32
    %dma_wait3A_156 = tpu.memref_slice %arg5[%dma_wait3A_155] : memref<128xi32, #tpu.memory_space<vmem>> -> memref<8xi32, #tpu.memory_space<vmem>>
    %dma_wait3A_157 = arith.constant 0 : i32
    %dma_wait3A_158 = arith.constant 0 : i32
    %dma_wait3A_159 = tpu.memref_slice %arg3[%dma_wait3A_157, %dma_wait3A_158] : memref<8192x4096xf32, #tpu.memory_space<hbm>> -> memref<8192x4096xf32, #tpu.memory_space<hbm>>
    tpu.wait_indirect_dma semaphore(%arg8 : memref<!tpu.dma_semaphore, #tpu.memory_space<semaphore_mem>>) src(%dma_wait3A_159 : memref<8192x4096xf32, #tpu.memory_space<hbm>>) dst(%arg6 : memref<8x4096xf32, #tpu.memory_space<vmem>>)
    %add3A_160 = arith.constant 96 : i32
    %add3A_161 = arith.addi %mul3A_2, %add3A_160 : i32
    "tpu.region"() ({
      %run_scoped3A = tpu.sem_alloc : memref<!tpu.dma_semaphore, #tpu.memory_space<semaphore_mem>>
      %dma_start3A_193 = arith.constant 0 : i32
      %dma_start3A_194 = tpu.memref_slice %arg4[%add3A_161, %dma_start3A_193] : memref<4096x4096xf32, #tpu.memory_space<hbm>> -> memref<8x4096xf32, #tpu.memory_space<hbm>>
      %dma_start3A_195 = arith.constant 0 : i32
      %dma_start3A_196 = tpu.memref_slice %arg4[%add3A_161, %dma_start3A_195] : memref<4096x4096xf32, #tpu.memory_space<hbm>> -> memref<8x4096xf32, #tpu.memory_space<hbm>>
      tpu.enqueue_dma source(%arg6 : memref<8x4096xf32, #tpu.memory_space<vmem>>) target(%dma_start3A_196 : memref<8x4096xf32, #tpu.memory_space<hbm>>) target_semaphore(%run_scoped3A : memref<!tpu.dma_semaphore, #tpu.memory_space<semaphore_mem>>)
      %dma_wait3A_197 = arith.constant 0 : i32
      %dma_wait3A_198 = tpu.memref_slice %arg4[%add3A_161, %dma_wait3A_197] : memref<4096x4096xf32, #tpu.memory_space<hbm>> -> memref<8x4096xf32, #tpu.memory_space<hbm>>
      %dma_wait3A_199 = arith.constant 0 : i32
      %dma_wait3A_200 = tpu.memref_slice %arg4[%add3A_161, %dma_wait3A_199] : memref<4096x4096xf32, #tpu.memory_space<hbm>> -> memref<8x4096xf32, #tpu.memory_space<hbm>>
      tpu.wait_dma2 semaphore(%run_scoped3A : memref<!tpu.dma_semaphore, #tpu.memory_space<semaphore_mem>>) src(%arg6 : memref<8x4096xf32, #tpu.memory_space<vmem>>) dst(%dma_wait3A_200 : memref<8x4096xf32, #tpu.memory_space<hbm>>)
      tpu.yield
    }) : () -> ()
    %dma_start3A_162 = arith.constant 112 : i32
    %dma_start3A_163 = tpu.memref_slice %arg5[%dma_start3A_162] : memref<128xi32, #tpu.memory_space<vmem>> -> memref<8xi32, #tpu.memory_space<vmem>>
    %dma_start3A_164 = arith.constant 0 : i32
    %dma_start3A_165 = arith.constant 0 : i32
    %dma_start3A_166 = tpu.memref_slice %arg3[%dma_start3A_164, %dma_start3A_165] : memref<8192x4096xf32, #tpu.memory_space<hbm>> -> memref<8192x4096xf32, #tpu.memory_space<hbm>>
    tpu.enqueue_indirect_dma source(%dma_start3A_166 : memref<8192x4096xf32, #tpu.memory_space<hbm>>) target(%arg6 : memref<8x4096xf32, #tpu.memory_space<vmem>>) offsets(%dma_start3A_163 : memref<8xi32, #tpu.memory_space<vmem>>) semaphore(%arg8 : memref<!tpu.dma_semaphore, #tpu.memory_space<semaphore_mem>>)
    %dma_wait3A_167 = arith.constant 104 : i32
    %dma_wait3A_168 = tpu.memref_slice %arg5[%dma_wait3A_167] : memref<128xi32, #tpu.memory_space<vmem>> -> memref<8xi32, #tpu.memory_space<vmem>>
    %dma_wait3A_169 = arith.constant 0 : i32
    %dma_wait3A_170 = arith.constant 0 : i32
    %dma_wait3A_171 = tpu.memref_slice %arg3[%dma_wait3A_169, %dma_wait3A_170] : memref<8192x4096xf32, #tpu.memory_space<hbm>> -> memref<8192x4096xf32, #tpu.memory_space<hbm>>
    tpu.wait_indirect_dma semaphore(%arg9 : memref<!tpu.dma_semaphore, #tpu.memory_space<semaphore_mem>>) src(%dma_wait3A_171 : memref<8192x4096xf32, #tpu.memory_space<hbm>>) dst(%arg7 : memref<8x4096xf32, #tpu.memory_space<vmem>>)
    %add3A_172 = arith.constant 104 : i32
    %add3A_173 = arith.addi %mul3A_2, %add3A_172 : i32
    "tpu.region"() ({
      %run_scoped3A = tpu.sem_alloc : memref<!tpu.dma_semaphore, #tpu.memory_space<semaphore_mem>>
      %dma_start3A_193 = arith.constant 0 : i32
      %dma_start3A_194 = tpu.memref_slice %arg4[%add3A_173, %dma_start3A_193] : memref<4096x4096xf32, #tpu.memory_space<hbm>> -> memref<8x4096xf32, #tpu.memory_space<hbm>>
      %dma_start3A_195 = arith.constant 0 : i32
      %dma_start3A_196 = tpu.memref_slice %arg4[%add3A_173, %dma_start3A_195] : memref<4096x4096xf32, #tpu.memory_space<hbm>> -> memref<8x4096xf32, #tpu.memory_space<hbm>>
      tpu.enqueue_dma source(%arg7 : memref<8x4096xf32, #tpu.memory_space<vmem>>) target(%dma_start3A_196 : memref<8x4096xf32, #tpu.memory_space<hbm>>) target_semaphore(%run_scoped3A : memref<!tpu.dma_semaphore, #tpu.memory_space<semaphore_mem>>)
      %dma_wait3A_197 = arith.constant 0 : i32
      %dma_wait3A_198 = tpu.memref_slice %arg4[%add3A_173, %dma_wait3A_197] : memref<4096x4096xf32, #tpu.memory_space<hbm>> -> memref<8x4096xf32, #tpu.memory_space<hbm>>
      %dma_wait3A_199 = arith.constant 0 : i32
      %dma_wait3A_200 = tpu.memref_slice %arg4[%add3A_173, %dma_wait3A_199] : memref<4096x4096xf32, #tpu.memory_space<hbm>> -> memref<8x4096xf32, #tpu.memory_space<hbm>>
      tpu.wait_dma2 semaphore(%run_scoped3A : memref<!tpu.dma_semaphore, #tpu.memory_space<semaphore_mem>>) src(%arg7 : memref<8x4096xf32, #tpu.memory_space<vmem>>) dst(%dma_wait3A_200 : memref<8x4096xf32, #tpu.memory_space<hbm>>)
      tpu.yield
    }) : () -> ()
    %dma_start3A_174 = arith.constant 120 : i32
    %dma_start3A_175 = tpu.memref_slice %arg5[%dma_start3A_174] : memref<128xi32, #tpu.memory_space<vmem>> -> memref<8xi32, #tpu.memory_space<vmem>>
    %dma_start3A_176 = arith.constant 0 : i32
    %dma_start3A_177 = arith.constant 0 : i32
    %dma_start3A_178 = tpu.memref_slice %arg3[%dma_start3A_176, %dma_start3A_177] : memref<8192x4096xf32, #tpu.memory_space<hbm>> -> memref<8192x4096xf32, #tpu.memory_space<hbm>>
    tpu.enqueue_indirect_dma source(%dma_start3A_178 : memref<8192x4096xf32, #tpu.memory_space<hbm>>) target(%arg7 : memref<8x4096xf32, #tpu.memory_space<vmem>>) offsets(%dma_start3A_175 : memref<8xi32, #tpu.memory_space<vmem>>) semaphore(%arg9 : memref<!tpu.dma_semaphore, #tpu.memory_space<semaphore_mem>>)
    %dma_wait3A_179 = arith.constant 112 : i32
    %dma_wait3A_180 = tpu.memref_slice %arg5[%dma_wait3A_179] : memref<128xi32, #tpu.memory_space<vmem>> -> memref<8xi32, #tpu.memory_space<vmem>>
    %dma_wait3A_181 = arith.constant 0 : i32
    %dma_wait3A_182 = arith.constant 0 : i32
    %dma_wait3A_183 = tpu.memref_slice %arg3[%dma_wait3A_181, %dma_wait3A_182] : memref<8192x4096xf32, #tpu.memory_space<hbm>> -> memref<8192x4096xf32, #tpu.memory_space<hbm>>
    tpu.wait_indirect_dma semaphore(%arg8 : memref<!tpu.dma_semaphore, #tpu.memory_space<semaphore_mem>>) src(%dma_wait3A_183 : memref<8192x4096xf32, #tpu.memory_space<hbm>>) dst(%arg6 : memref<8x4096xf32, #tpu.memory_space<vmem>>)
    %add3A_184 = arith.constant 112 : i32
    %add3A_185 = arith.addi %mul3A_2, %add3A_184 : i32
    "tpu.region"() ({
      %run_scoped3A = tpu.sem_alloc : memref<!tpu.dma_semaphore, #tpu.memory_space<semaphore_mem>>
      %dma_start3A_193 = arith.constant 0 : i32
      %dma_start3A_194 = tpu.memref_slice %arg4[%add3A_185, %dma_start3A_193] : memref<4096x4096xf32, #tpu.memory_space<hbm>> -> memref<8x4096xf32, #tpu.memory_space<hbm>>
      %dma_start3A_195 = arith.constant 0 : i32
      %dma_start3A_196 = tpu.memref_slice %arg4[%add3A_185, %dma_start3A_195] : memref<4096x4096xf32, #tpu.memory_space<hbm>> -> memref<8x4096xf32, #tpu.memory_space<hbm>>
      tpu.enqueue_dma source(%arg6 : memref<8x4096xf32, #tpu.memory_space<vmem>>) target(%dma_start3A_196 : memref<8x4096xf32, #tpu.memory_space<hbm>>) target_semaphore(%run_scoped3A : memref<!tpu.dma_semaphore, #tpu.memory_space<semaphore_mem>>)
      %dma_wait3A_197 = arith.constant 0 : i32
      %dma_wait3A_198 = tpu.memref_slice %arg4[%add3A_185, %dma_wait3A_197] : memref<4096x4096xf32, #tpu.memory_space<hbm>> -> memref<8x4096xf32, #tpu.memory_space<hbm>>
      %dma_wait3A_199 = arith.constant 0 : i32
      %dma_wait3A_200 = tpu.memref_slice %arg4[%add3A_185, %dma_wait3A_199] : memref<4096x4096xf32, #tpu.memory_space<hbm>> -> memref<8x4096xf32, #tpu.memory_space<hbm>>
      tpu.wait_dma2 semaphore(%run_scoped3A : memref<!tpu.dma_semaphore, #tpu.memory_space<semaphore_mem>>) src(%arg6 : memref<8x4096xf32, #tpu.memory_space<vmem>>) dst(%dma_wait3A_200 : memref<8x4096xf32, #tpu.memory_space<hbm>>)
      tpu.yield
    }) : () -> ()
    %dma_wait3A_186 = arith.constant 120 : i32
    %dma_wait3A_187 = tpu.memref_slice %arg5[%dma_wait3A_186] : memref<128xi32, #tpu.memory_space<vmem>> -> memref<8xi32, #tpu.memory_space<vmem>>
    %dma_wait3A_188 = arith.constant 0 : i32
    %dma_wait3A_189 = arith.constant 0 : i32
    %dma_wait3A_190 = tpu.memref_slice %arg3[%dma_wait3A_188, %dma_wait3A_189] : memref<8192x4096xf32, #tpu.memory_space<hbm>> -> memref<8192x4096xf32, #tpu.memory_space<hbm>>
    tpu.wait_indirect_dma semaphore(%arg9 : memref<!tpu.dma_semaphore, #tpu.memory_space<semaphore_mem>>) src(%dma_wait3A_190 : memref<8192x4096xf32, #tpu.memory_space<hbm>>) dst(%arg7 : memref<8x4096xf32, #tpu.memory_space<vmem>>)
    %add3A_191 = arith.constant 120 : i32
    %add3A_192 = arith.addi %mul3A_2, %add3A_191 : i32
    "tpu.region"() ({
      %run_scoped3A = tpu.sem_alloc : memref<!tpu.dma_semaphore, #tpu.memory_space<semaphore_mem>>
      %dma_start3A_193 = arith.constant 0 : i32
      %dma_start3A_194 = tpu.memref_slice %arg4[%add3A_192, %dma_start3A_193] : memref<4096x4096xf32, #tpu.memory_space<hbm>> -> memref<8x4096xf32, #tpu.memory_space<hbm>>
      %dma_start3A_195 = arith.constant 0 : i32
      %dma_start3A_196 = tpu.memref_slice %arg4[%add3A_192, %dma_start3A_195] : memref<4096x4096xf32, #tpu.memory_space<hbm>> -> memref<8x4096xf32, #tpu.memory_space<hbm>>
      tpu.enqueue_dma source(%arg7 : memref<8x4096xf32, #tpu.memory_space<vmem>>) target(%dma_start3A_196 : memref<8x4096xf32, #tpu.memory_space<hbm>>) target_semaphore(%run_scoped3A : memref<!tpu.dma_semaphore, #tpu.memory_space<semaphore_mem>>)
      %dma_wait3A_197 = arith.constant 0 : i32
      %dma_wait3A_198 = tpu.memref_slice %arg4[%add3A_192, %dma_wait3A_197] : memref<4096x4096xf32, #tpu.memory_space<hbm>> -> memref<8x4096xf32, #tpu.memory_space<hbm>>
      %dma_wait3A_199 = arith.constant 0 : i32
      %dma_wait3A_200 = tpu.memref_slice %arg4[%add3A_192, %dma_wait3A_199] : memref<4096x4096xf32, #tpu.memory_space<hbm>> -> memref<8x4096xf32, #tpu.memory_space<hbm>>
      tpu.wait_dma2 semaphore(%run_scoped3A : memref<!tpu.dma_semaphore, #tpu.memory_space<semaphore_mem>>) src(%arg7 : memref<8x4096xf32, #tpu.memory_space<vmem>>) dst(%dma_wait3A_200 : memref<8x4096xf32, #tpu.memory_space<hbm>>)
      tpu.yield
    }) : () -> ()
    return
  }
}

module attributes {stable_mosaic.version = 14 : i64} {
  func.func @_dist_argmin_kernel(%arg0: i32, %arg1: i32, %arg2: memref<1024x4096xf32, #tpu.memory_space<vmem>>, %arg3: memref<512x4096xf32, #tpu.memory_space<vmem>>, %arg4: memref<1024x1xf32, #tpu.memory_space<vmem>>, %arg5: memref<1x512xf32, #tpu.memory_space<vmem>>, %arg6: memref<1x1024x1xi32, #tpu.memory_space<vmem>>, %arg7: memref<1x1024x1xf32, #tpu.memory_space<vmem>>, %arg8: memref<1024x1xf32, #tpu.memory_space<vmem>>, %arg9: memref<1024x1xi32, #tpu.memory_space<vmem>>, %arg10: memref<1024x1xf32, #tpu.memory_space<vmem>>, %arg11: memref<1024x1xi32, #tpu.memory_space<vmem>>, %arg12: memref<1024x1xf32, #tpu.memory_space<vmem>>) attributes {dimension_semantics = [#tpu.dimension_semantics<parallel>, #tpu.dimension_semantics<arbitrary>], iteration_bounds = array<i64: 4, 16>, scalar_prefetch = 0 : i64, scratch_operands = 5 : i64, tpu.core_type = #tpu.core_type<tc>, window_params = [{transform_indices = @transform_0, window_bounds = array<i64: 1024, 4096>}, {transform_indices = @transform_1, window_bounds = array<i64: 512, 4096>}, {transform_indices = @transform_2, window_bounds = array<i64: 1024, 1>}, {transform_indices = @transform_3, window_bounds = array<i64: 1, 512>}, {transform_indices = @transform_4, window_bounds = array<i64: 1, 1024, 1>}, {transform_indices = @transform_5, window_bounds = array<i64: 1, 1024, 1>}]} {
    %get3A = arith.constant 0 : index
    %get3A_0 = arith.constant 0 : index
    %get3A_1 = vector.load %arg2[%get3A, %get3A_0] : memref<1024x4096xf32, #tpu.memory_space<vmem>>, vector<1024x4096xf32>
    %get3A_2 = arith.constant 0 : index
    %get3A_3 = arith.constant 0 : index
    %get3A_4 = vector.load %arg3[%get3A_2, %get3A_3] : memref<512x4096xf32, #tpu.memory_space<vmem>>, vector<512x4096xf32>
    %dot_general3A = arith.constant dense<0.000000e+00> : vector<1024x512xf32>
    %dot_general3A_5 = tpu.matmul %get3A_1, %get3A_4, %dot_general3A {dimension_numbers = #tpu.dot_dimension_numbers<[1], [1], [0], [0], [0, 0, 1, 0], [], []>, transpose_lhs_hint = false} : vector<1024x4096xf32>, vector<512x4096xf32>, vector<1024x512xf32> -> vector<1024x512xf32>
    %get3A_6 = arith.constant 0 : index
    %get3A_7 = arith.constant 0 : index
    %get3A_8 = vector.load %arg4[%get3A_6, %get3A_7] : memref<1024x1xf32, #tpu.memory_space<vmem>>, vector<1024x1xf32>
    %get3A_9 = arith.constant 0 : index
    %get3A_10 = arith.constant 0 : index
    %get3A_11 = vector.load %arg5[%get3A_9, %get3A_10] : memref<1x512xf32, #tpu.memory_space<vmem>>, vector<1x512xf32>
    %add3A = vector.broadcast %get3A_8 : vector<1024x1xf32> to vector<1024x512xf32>
    %add3A_12 = vector.broadcast %get3A_11 : vector<1x512xf32> to vector<1024x512xf32>
    %add3A_13 = arith.addf %add3A, %add3A_12 : vector<1024x512xf32>
    %mul3A = arith.constant 2.000000e+00 : f32
    %mul3A_14 = vector.broadcast %mul3A : f32 to vector<1024x512xf32>
    %mul3A_15 = arith.mulf %mul3A_14, %dot_general3A_5 : vector<1024x512xf32>
    %sub3A = arith.subf %add3A_13, %mul3A_15 : vector<1024x512xf32>
    %reduce_min3A = arith.constant dense<0x7F800000> : vector<1024xf32>
    %reduce_min3A_16 = vector.multi_reduction <minimumf>, %sub3A, %reduce_min3A [1] : vector<1024x512xf32> to vector<1024xf32>
    %broadcast_in_dim3A = vector.shape_cast %reduce_min3A_16 : vector<1024xf32> to vector<1024x1xf32>
    %iota3A = tpu.iota {dimensions = array<i32: 1>} : vector<1x512xi32>
    %eq3A = vector.broadcast %broadcast_in_dim3A : vector<1024x1xf32> to vector<1024x512xf32>
    %eq3A_17 = arith.cmpf oeq, %sub3A, %eq3A : vector<1024x512xf32>
    %jit3A = arith.constant 8192 : i32
    %broadcast_in_dim3A_18 = vector.shape_cast %iota3A : vector<1x512xi32> to vector<1x512xi32>
    %broadcast_in_dim3A_19 = vector.broadcast %broadcast_in_dim3A_18 : vector<1x512xi32> to vector<1024x512xi32>
    %broadcast_in_dim3A_20 = vector.broadcast %jit3A : i32 to vector<1024x512xi32>
    %select_n3A = arith.select %eq3A_17, %broadcast_in_dim3A_19, %broadcast_in_dim3A_20 : vector<1024x512xi1>, vector<1024x512xi32>
    %reduce_min3A_21 = arith.constant dense<2147483647> : vector<1024xi32>
    %reduce_min3A_22 = vector.multi_reduction <minsi>, %select_n3A, %reduce_min3A_21 [1] : vector<1024x512xi32> to vector<1024xi32>
    %broadcast_in_dim3A_23 = vector.shape_cast %reduce_min3A_22 : vector<1024xi32> to vector<1024x1xi32>
    %mul3A_24 = arith.constant 512 : i32
    %mul3A_25 = arith.muli %arg1, %mul3A_24 : i32
    %add3A_26 = vector.broadcast %mul3A_25 : i32 to vector<1024x1xi32>
    %add3A_27 = arith.addi %broadcast_in_dim3A_23, %add3A_26 : vector<1024x1xi32>
    %jit3A_28 = arith.constant 4 : i32
    %eq3A_29 = arith.constant 0 : i32
    %eq3A_30 = arith.cmpi eq, %jit3A_28, %eq3A_29 : i32
    %jit3A_31 = arith.constant 1 : i32
    %select_n3A_32 = arith.select %eq3A_30, %jit3A_31, %jit3A_28 : i32
    %rem3A = arith.remsi %arg1, %select_n3A_32 : i32
    %ne3A = arith.constant 0 : i32
    %ne3A_33 = arith.cmpi ne, %rem3A, %ne3A : i32
    %lt3A = arith.constant 0 : i32
    %lt3A_34 = arith.cmpi slt, %rem3A, %lt3A : i32
    %lt3A_35 = arith.constant 0 : i32
    %lt3A_36 = arith.cmpi slt, %select_n3A_32, %lt3A_35 : i32
    %ne3A_37 = arith.xori %lt3A_34, %lt3A_36 : i1
    %and3A = arith.andi %ne3A_37, %ne3A_33 : i1
    %add3A_38 = arith.addi %rem3A, %select_n3A_32 : i32
    %select_n3A_39 = arith.select %and3A, %add3A_38, %rem3A : i32
    %eq3A_40 = arith.constant 0 : i32
    %eq3A_41 = arith.cmpi eq, %select_n3A_39, %eq3A_40 : i32
    %convert_element_type3A = arith.extui %eq3A_41 : i1 to i32
    %cond3A = arith.constant 0 : i32
    %cond3A_42 = arith.cmpi ne, %convert_element_type3A, %cond3A : i32
    scf.if %cond3A_42 {
      %swap3A = arith.constant 0 : index
      %swap3A_90 = arith.constant 0 : index
      %swap3A_91 = vector.load %arg8[%swap3A, %swap3A_90] : memref<1024x1xf32, #tpu.memory_space<vmem>>, vector<1024x1xf32>
      tpu.vector_store %arg8[%swap3A, %swap3A_90], %broadcast_in_dim3A {strides = array<i32>} : memref<1024x1xf32, #tpu.memory_space<vmem>>, vector<1024x1xf32>,
      %swap3A_92 = arith.constant 0 : index
      %swap3A_93 = arith.constant 0 : index
      %swap3A_94 = vector.load %arg9[%swap3A_92, %swap3A_93] : memref<1024x1xi32, #tpu.memory_space<vmem>>, vector<1024x1xi32>
      tpu.vector_store %arg9[%swap3A_92, %swap3A_93], %add3A_27 {strides = array<i32>} : memref<1024x1xi32, #tpu.memory_space<vmem>>, vector<1024x1xi32>,
    } else {
    }
    %jit3A_43 = arith.constant 4 : i32
    %eq3A_44 = arith.constant 0 : i32
    %eq3A_45 = arith.cmpi eq, %jit3A_43, %eq3A_44 : i32
    %jit3A_46 = arith.constant 1 : i32
    %select_n3A_47 = arith.select %eq3A_45, %jit3A_46, %jit3A_43 : i32
    %rem3A_48 = arith.remsi %arg1, %select_n3A_47 : i32
    %ne3A_49 = arith.constant 0 : i32
    %ne3A_50 = arith.cmpi ne, %rem3A_48, %ne3A_49 : i32
    %lt3A_51 = arith.constant 0 : i32
    %lt3A_52 = arith.cmpi slt, %rem3A_48, %lt3A_51 : i32
    %lt3A_53 = arith.constant 0 : i32
    %lt3A_54 = arith.cmpi slt, %select_n3A_47, %lt3A_53 : i32
    %ne3A_55 = arith.xori %lt3A_52, %lt3A_54 : i1
    %and3A_56 = arith.andi %ne3A_55, %ne3A_50 : i1
    %add3A_57 = arith.addi %rem3A_48, %select_n3A_47 : i32
    %select_n3A_58 = arith.select %and3A_56, %add3A_57, %rem3A_48 : i32
    %ne3A_59 = arith.constant 0 : i32
    %ne3A_60 = arith.cmpi ne, %select_n3A_58, %ne3A_59 : i32
    %convert_element_type3A_61 = arith.extui %ne3A_60 : i1 to i32
    %cond3A_62 = arith.constant 0 : i32
    %cond3A_63 = arith.cmpi ne, %convert_element_type3A_61, %cond3A_62 : i32
    scf.if %cond3A_63 {
      %get3A_90 = arith.constant 0 : index
      %get3A_91 = arith.constant 0 : index
      %get3A_92 = vector.load %arg8[%get3A_90, %get3A_91] : memref<1024x1xf32, #tpu.memory_space<vmem>>, vector<1024x1xf32>
      %lt3A_93 = arith.cmpf olt, %broadcast_in_dim3A, %get3A_92 : vector<1024x1xf32>
      %get3A_94 = arith.constant 0 : index
      %get3A_95 = arith.constant 0 : index
      %get3A_96 = vector.load %arg8[%get3A_94, %get3A_95] : memref<1024x1xf32, #tpu.memory_space<vmem>>, vector<1024x1xf32>
      %select_n3A_97 = arith.select %lt3A_93, %broadcast_in_dim3A, %get3A_96 : vector<1024x1xi1>, vector<1024x1xf32>
      %swap3A = arith.constant 0 : index
      %swap3A_98 = arith.constant 0 : index
      %swap3A_99 = vector.load %arg8[%swap3A, %swap3A_98] : memref<1024x1xf32, #tpu.memory_space<vmem>>, vector<1024x1xf32>
      tpu.vector_store %arg8[%swap3A, %swap3A_98], %select_n3A_97 {strides = array<i32>} : memref<1024x1xf32, #tpu.memory_space<vmem>>, vector<1024x1xf32>,
      %get3A_100 = arith.constant 0 : index
      %get3A_101 = arith.constant 0 : index
      %get3A_102 = vector.load %arg9[%get3A_100, %get3A_101] : memref<1024x1xi32, #tpu.memory_space<vmem>>, vector<1024x1xi32>
      %select_n3A_103 = arith.select %lt3A_93, %add3A_27, %get3A_102 : vector<1024x1xi1>, vector<1024x1xi32>
      %swap3A_104 = arith.constant 0 : index
      %swap3A_105 = arith.constant 0 : index
      %swap3A_106 = vector.load %arg9[%swap3A_104, %swap3A_105] : memref<1024x1xi32, #tpu.memory_space<vmem>>, vector<1024x1xi32>
      tpu.vector_store %arg9[%swap3A_104, %swap3A_105], %select_n3A_103 {strides = array<i32>} : memref<1024x1xi32, #tpu.memory_space<vmem>>, vector<1024x1xi32>,
    } else {
    }
    %jit3A_64 = arith.constant 4 : i32
    %eq3A_65 = arith.constant 0 : i32
    %eq3A_66 = arith.cmpi eq, %jit3A_64, %eq3A_65 : i32
    %jit3A_67 = arith.constant 1 : i32
    %select_n3A_68 = arith.select %eq3A_66, %jit3A_67, %jit3A_64 : i32
    %rem3A_69 = arith.remsi %arg1, %select_n3A_68 : i32
    %ne3A_70 = arith.constant 0 : i32
    %ne3A_71 = arith.cmpi ne, %rem3A_69, %ne3A_70 : i32
    %lt3A_72 = arith.constant 0 : i32
    %lt3A_73 = arith.cmpi slt, %rem3A_69, %lt3A_72 : i32
    %lt3A_74 = arith.constant 0 : i32
    %lt3A_75 = arith.cmpi slt, %select_n3A_68, %lt3A_74 : i32
    %ne3A_76 = arith.xori %lt3A_73, %lt3A_75 : i1
    %and3A_77 = arith.andi %ne3A_76, %ne3A_71 : i1
    %add3A_78 = arith.addi %rem3A_69, %select_n3A_68 : i32
    %select_n3A_79 = arith.select %and3A_77, %add3A_78, %rem3A_69 : i32
    %eq3A_80 = arith.constant 3 : i32
    %eq3A_81 = arith.cmpi eq, %select_n3A_79, %eq3A_80 : i32
    %convert_element_type3A_82 = arith.extui %eq3A_81 : i1 to i32
    %cond3A_83 = arith.constant 0 : i32
    %cond3A_84 = arith.cmpi ne, %convert_element_type3A_82, %cond3A_83 : i32
    scf.if %cond3A_84 {
      %get3A_90 = arith.constant 0 : index
      %get3A_91 = arith.constant 0 : index
      %get3A_92 = vector.load %arg8[%get3A_90, %get3A_91] : memref<1024x1xf32, #tpu.memory_space<vmem>>, vector<1024x1xf32>
      %get3A_93 = arith.constant 0 : index
      %get3A_94 = arith.constant 0 : index
      %get3A_95 = vector.load %arg9[%get3A_93, %get3A_94] : memref<1024x1xi32, #tpu.memory_space<vmem>>, vector<1024x1xi32>
      %eq3A_96 = arith.constant 3 : i32
      %eq3A_97 = arith.cmpi eq, %arg1, %eq3A_96 : i32
      %convert_element_type3A_98 = arith.extui %eq3A_97 : i1 to i32
      %cond3A_99 = arith.constant 0 : i32
      %cond3A_100 = arith.cmpi ne, %convert_element_type3A_98, %cond3A_99 : i32
      scf.if %cond3A_100 {
        %swap3A = arith.constant 0 : index
        %swap3A_105 = arith.constant 0 : index
        %swap3A_106 = vector.load %arg11[%swap3A, %swap3A_105] : memref<1024x1xi32, #tpu.memory_space<vmem>>, vector<1024x1xi32>
        tpu.vector_store %arg11[%swap3A, %swap3A_105], %get3A_95 {strides = array<i32>} : memref<1024x1xi32, #tpu.memory_space<vmem>>, vector<1024x1xi32>,
        %swap3A_107 = arith.constant 0 : index
        %swap3A_108 = arith.constant 0 : index
        %swap3A_109 = vector.load %arg12[%swap3A_107, %swap3A_108] : memref<1024x1xf32, #tpu.memory_space<vmem>>, vector<1024x1xf32>
        tpu.vector_store %arg12[%swap3A_107, %swap3A_108], %get3A_92 {strides = array<i32>} : memref<1024x1xf32, #tpu.memory_space<vmem>>, vector<1024x1xf32>,
        %convert_element_type3A_110 = arith.truncf %get3A_92 : vector<1024x1xf32> to vector<1024x1xbf16>
        %convert_element_type3A_111 = arith.extf %convert_element_type3A_110 : vector<1024x1xbf16> to vector<1024x1xf32>
        %swap3A_112 = arith.constant 0 : index
        %swap3A_113 = arith.constant 0 : index
        %swap3A_114 = vector.load %arg10[%swap3A_112, %swap3A_113] : memref<1024x1xf32, #tpu.memory_space<vmem>>, vector<1024x1xf32>
        tpu.vector_store %arg10[%swap3A_112, %swap3A_113], %convert_element_type3A_111 {strides = array<i32>} : memref<1024x1xf32, #tpu.memory_space<vmem>>, vector<1024x1xf32>,
      } else {
      }
      %gt3A = arith.constant 3 : i32
      %gt3A_101 = arith.cmpi sgt, %arg1, %gt3A : i32
      %convert_element_type3A_102 = arith.extui %gt3A_101 : i1 to i32
      %cond3A_103 = arith.constant 0 : i32
      %cond3A_104 = arith.cmpi ne, %convert_element_type3A_102, %cond3A_103 : i32
      scf.if %cond3A_104 {
        %get3A_105 = arith.constant 0 : index
        %get3A_106 = arith.constant 0 : index
        %get3A_107 = vector.load %arg10[%get3A_105, %get3A_106] : memref<1024x1xf32, #tpu.memory_space<vmem>>, vector<1024x1xf32>
        %lt3A_108 = arith.cmpf olt, %get3A_92, %get3A_107 : vector<1024x1xf32>
        %get3A_109 = arith.constant 0 : index
        %get3A_110 = arith.constant 0 : index
        %get3A_111 = vector.load %arg11[%get3A_109, %get3A_110] : memref<1024x1xi32, #tpu.memory_space<vmem>>, vector<1024x1xi32>
        %select_n3A_112 = arith.select %lt3A_108, %get3A_95, %get3A_111 : vector<1024x1xi1>, vector<1024x1xi32>
        %swap3A = arith.constant 0 : index
        %swap3A_113 = arith.constant 0 : index
        %swap3A_114 = vector.load %arg11[%swap3A, %swap3A_113] : memref<1024x1xi32, #tpu.memory_space<vmem>>, vector<1024x1xi32>
        tpu.vector_store %arg11[%swap3A, %swap3A_113], %select_n3A_112 {strides = array<i32>} : memref<1024x1xi32, #tpu.memory_space<vmem>>, vector<1024x1xi32>,
        %get3A_115 = arith.constant 0 : index
        %get3A_116 = arith.constant 0 : index
        %get3A_117 = vector.load %arg12[%get3A_115, %get3A_116] : memref<1024x1xf32, #tpu.memory_space<vmem>>, vector<1024x1xf32>
        %select_n3A_118 = arith.select %lt3A_108, %get3A_92, %get3A_117 : vector<1024x1xi1>, vector<1024x1xf32>
        %swap3A_119 = arith.constant 0 : index
        %swap3A_120 = arith.constant 0 : index
        %swap3A_121 = vector.load %arg12[%swap3A_119, %swap3A_120] : memref<1024x1xf32, #tpu.memory_space<vmem>>, vector<1024x1xf32>
        tpu.vector_store %arg12[%swap3A_119, %swap3A_120], %select_n3A_118 {strides = array<i32>} : memref<1024x1xf32, #tpu.memory_space<vmem>>, vector<1024x1xf32>,
        %get3A_122 = arith.constant 0 : index
        %get3A_123 = arith.constant 0 : index
        %get3A_124 = vector.load %arg10[%get3A_122, %get3A_123] : memref<1024x1xf32, #tpu.memory_space<vmem>>, vector<1024x1xf32>
        %select_n3A_125 = arith.select %lt3A_108, %get3A_92, %get3A_124 : vector<1024x1xi1>, vector<1024x1xf32>
        %convert_element_type3A_126 = arith.truncf %select_n3A_125 : vector<1024x1xf32> to vector<1024x1xbf16>
        %convert_element_type3A_127 = arith.extf %convert_element_type3A_126 : vector<1024x1xbf16> to vector<1024x1xf32>
        %swap3A_128 = arith.constant 0 : index
        %swap3A_129 = arith.constant 0 : index
        %swap3A_130 = vector.load %arg10[%swap3A_128, %swap3A_129] : memref<1024x1xf32, #tpu.memory_space<vmem>>, vector<1024x1xf32>
        tpu.vector_store %arg10[%swap3A_128, %swap3A_129], %convert_element_type3A_127 {strides = array<i32>} : memref<1024x1xf32, #tpu.memory_space<vmem>>, vector<1024x1xf32>,
      } else {
      }
    } else {
    }
    %eq3A_85 = arith.constant 15 : i32
    %eq3A_86 = arith.cmpi eq, %arg1, %eq3A_85 : i32
    %convert_element_type3A_87 = arith.extui %eq3A_86 : i1 to i32
    %cond3A_88 = arith.constant 0 : i32
    %cond3A_89 = arith.cmpi ne, %convert_element_type3A_87, %cond3A_88 : i32
    scf.if %cond3A_89 {
      %get3A_90 = arith.constant 0 : index
      %get3A_91 = arith.constant 0 : index
      %get3A_92 = vector.load %arg11[%get3A_90, %get3A_91] : memref<1024x1xi32, #tpu.memory_space<vmem>>, vector<1024x1xi32>
      %swap3A = arith.constant 0 : index
      %swap3A_93 = arith.constant 0 : index
      %swap3A_94 = arith.constant 0 : index
      %swap3A_95 = vector.load %arg6[%swap3A, %swap3A_93, %swap3A_94] : memref<1x1024x1xi32, #tpu.memory_space<vmem>>, vector<1x1024x1xi32>
      %swap3A_96 = vector.shape_cast %swap3A_95 : vector<1x1024x1xi32> to vector<1024x1xi32>
      %swap3A_97 = vector.shape_cast %get3A_92 : vector<1024x1xi32> to vector<1x1024x1xi32>
      tpu.vector_store %arg6[%swap3A, %swap3A_93, %swap3A_94], %swap3A_97 {strides = array<i32>} : memref<1x1024x1xi32, #tpu.memory_space<vmem>>, vector<1x1024x1xi32>,
      %get3A_98 = arith.constant 0 : index
      %get3A_99 = arith.constant 0 : index
      %get3A_100 = vector.load %arg12[%get3A_98, %get3A_99] : memref<1024x1xf32, #tpu.memory_space<vmem>>, vector<1024x1xf32>
      %swap3A_101 = arith.constant 0 : index
      %swap3A_102 = arith.constant 0 : index
      %swap3A_103 = arith.constant 0 : index
      %swap3A_104 = vector.load %arg7[%swap3A_101, %swap3A_102, %swap3A_103] : memref<1x1024x1xf32, #tpu.memory_space<vmem>>, vector<1x1024x1xf32>
      %swap3A_105 = vector.shape_cast %swap3A_104 : vector<1x1024x1xf32> to vector<1024x1xf32>
      %swap3A_106 = vector.shape_cast %get3A_100 : vector<1024x1xf32> to vector<1x1024x1xf32>
      tpu.vector_store %arg7[%swap3A_101, %swap3A_102, %swap3A_103], %swap3A_106 {strides = array<i32>} : memref<1x1024x1xf32, #tpu.memory_space<vmem>>, vector<1x1024x1xf32>,
    } else {
    }
    return
  }
  func.func @transform_0(%arg0: i32, %arg1: i32) -> (i32, i32) {
    %c0_i32 = arith.constant 0 : i32
    %c0_i32_0 = arith.constant 0 : i32
    return %arg0, %c0_i32 : i32, i32
  }
  func.func @transform_1(%arg0: i32, %arg1: i32) -> (i32, i32) {
    %c0_i32 = arith.constant 0 : i32
    %c0_i32_0 = arith.constant 0 : i32
    return %arg1, %c0_i32 : i32, i32
  }
  func.func @transform_2(%arg0: i32, %arg1: i32) -> (i32, i32) {
    %c0_i32 = arith.constant 0 : i32
    %c0_i32_0 = arith.constant 0 : i32
    return %arg0, %c0_i32 : i32, i32
  }
  func.func @transform_3(%arg0: i32, %arg1: i32) -> (i32, i32) {
    %c0_i32 = arith.constant 0 : i32
    %c0_i32_0 = arith.constant 0 : i32
    return %c0_i32, %arg1 : i32, i32
  }
  func.func @transform_4(%arg0: i32, %arg1: i32) -> (i32, i32, i32) {
    %c0_i32 = arith.constant 0 : i32
    %c0_i32_0 = arith.constant 0 : i32
    %c0_i32_1 = arith.constant 0 : i32
    return %arg0, %c0_i32, %c0_i32_0 : i32, i32, i32
  }
  func.func @transform_5(%arg0: i32, %arg1: i32) -> (i32, i32, i32) {
    %c0_i32 = arith.constant 0 : i32
    %c0_i32_0 = arith.constant 0 : i32
    %c0_i32_1 = arith.constant 0 : i32
    return %arg0, %c0_i32, %c0_i32_0 : i32, i32, i32
  }
}

</mosaic_0001>

<sc_bundles>
// kernel: kernel.4.cloned.1.call-start
scs
__scs_entry_jumppad:
0x0: {  	(pc) =	sbr.rel $0x88, $3  }
0x1: {  	(tag) =	ssettag $0x0;
	lr =	simm.s32 $0x1  }
0x2: {  	[smem:$0x3F9F] =	sst lr;
	_ =	strace $0xD0000000  }
0x3: {  	_ = 	snop  }
0x4: {  	_ = 	snop  }
0x5: {  	_ = 	snop  }
0x6: {  	_ = 	snop  }
0x7: {  	_ = 	snop  }
__scs_overlays_trampoline_lowered:
0x8: {  	[smem:$0x3FAE] =	sst s0  }
0x9: {  	[smem:$0x3FAF] =	sst s1  }
0xa: {  	[smem:$0x3FB0] =	sst s2  }
0xb: {  	[smem:$0x3FB1] =	sst s3  }
0xc: {  	[smem:$0x3FB2] =	sst s4  }
0xd: {  	[smem:$0x3FB3] =	sst s5  }
0xe: {  	[smem:$0x3FB4] =	sst s6  }
0xf: {  	[smem:$0x3FB5] =	sst s7  }
0x10: {  	[smem:$0x3FB6] =	sst s8  }
0x11: {  	[smem:$0x3FB7] =	sst s9;
	s0 =	simm.s32 @!p0 $0x0  }
0x12: {  	s1 =	sld [smem:$0x3F9D];
	s0 =	simm.s32 @p0 $0x1  }
0x13: {  	[smem:$0x3FB8] =	sst s0;
	s0 =	simm.s32 @!p1 $0x0  }
0x14: {  	s2 =	sld [smem:$0x3F9C];
	s0 =	simm.s32 @p1 $0x1  }
0x15: {  	[smem:$0x3FB9] =	sst s0;
	s0 =	simm.s32 @!p2 $0x0  }
0x16: {  	s3 =	sld [smem:$0x3FDB];
	s0 =	simm.s32 @p2 $0x1  }
0x17: {  	s4 =	simm.s32 $0x1BF5;
	[smem:$0x3FBB] =	sst s0  }
0x18: {  	s0 =	sld [smem:$0x3F9E];
	_ =	swait.ge [sflag:s4], $0x0  }
0x19: {  	s7 =	sld [smem:$0x3F9F]  }
0x1a: {  	s8 =	sadd.s32 $0xFFFFE003, lr  }
0x1b: {  	s9 =	sadd.s32 $0xFFFFFEF7, lr;
	s5 =	simm.s32 $0xFFFFFFFF;
	p2 =	slt.u32 s8, $0xFFFFF086  }
0x1c: {  	p1 =	slt.u32 s9, $0xF7A;
	s5 =	simm.s32 @!p2 $0x0  }
0x1d: {  	s5 =	simm.s32 @p1 $0x1;
	p0 =	seq.s32 s7, s2  }
0x1e: {  	s7 =	smul.u32 @!p0 $0xF7A, s2;
	p2 =	seq.s32 @!p0 s5, $0x0  }
0x1f: {  	s9 =	smul.u32 $0xF7A, s1;
	s8 =	simm.s32 @!p0 $0x1BF5;
	p2 =	por !p2, p0  }
0x20: {  	[sflag:s8] =	ssyncset.s32 @!p0 $0xFFFFF086;
	s6 =	sadd.s32 @!p0 s3, s7;
	s7 =	simm.s32 @!p0 $0x108  }
0x21: {  	s3 =	sadd.s32 s3, s9;
	s6 =	sadd.s32 @!p0 $0x88, s6;
	s7 =	simm.s32 @p2 $0x1082  }
0x22: {  	[simem:s7], [sflag:s8] =	dma.local @!p0 [hbm:s6], $0xF7A  }
0x23: {  	s9 =	sor.u32 $0xD0000000, s2;
	s6 =	simm.s32 $0x108;
	_ =	swait.ge @!p0 [sflag:s8], $0x0  }
0x24: {  	s3 =	sadd.s32 $0x88, s3;
	s6 =	simm.s32 @!p1 $0x1082;
	[sflag:s4] =	ssyncset.s32 $0xFFFFF086  }
0x25: {  	[simem:s6], [sflag:s4] =	dma.local [hbm:s3], $0xF7A  }
0x26: {  	[smem:$0x3F9F] =	sst s1;
	(tag) =	ssettag s2;
	_ =	strace s9  }
0x27: {  	s1 =	sld [smem:$0x3FAF]  }
0x28: {  	s2 =	sld [smem:$0x3FB0]  }
0x29: {  	s4 =	sld [smem:$0x3FB2]  }
0x2a: {  	p0 =	seq.s32 s5, $0x0;
	s5 =	sld [smem:$0x3FB3]  }
0x2b: {  	s6 =	sld [smem:$0x3FB4]  }
0x2c: {  	s7 =	sld [smem:$0x3FB5]  }
0x2d: {  	s3 =	simm.s32 $0x108;
	s8 =	sld [smem:$0x3FB6]  }
0x2e: {  	s3 =	simm.s32 @!p0 $0x1082;
	s9 =	sld [smem:$0x3FB7]  }
0x2f: {  	lr =	sadd.s32 s0, s3;
	s0 =	sld [smem:$0x3FAE]  }
0x30: {  	s3 =	sld [smem:$0x3FB1]  }
0x31: {  	[smem:$0x3FBA] =	sst s10  }
0x32: {  	s10 =	sld [smem:$0x3FB8];
	_ =	sdelay $0x3  }
0x33: {  	p0 =	seq.s32 s10, $0x1;
	s10 =	sld [smem:$0x3FBA];
	_ =	sdelay $0x3  }
0x34: {  	[smem:$0x3FBA] =	sst s10  }
0x35: {  	s10 =	sld [smem:$0x3FB9];
	_ =	sdelay $0x3  }
0x36: {  	p1 =	seq.s32 s10, $0x1;
	s10 =	sld [smem:$0x3FBA];
	_ =	sdelay $0x3  }
0x37: {  	[smem:$0x3FBA] =	sst s10  }
0x38: {  	s10 =	sld [smem:$0x3FBB]  }
0x39: {  	_ = 	snop;
	(pc) =	sbr.ind lr, $3  }
0x3a: {  	_ = 	snop  }
0x3b: {  	_ = 	snop  }
0x3c: {  	p2 =	seq.s32 s10, $0x1;
	s10 =	sld [smem:$0x3FBA]  }
0x3d: {  	_ =	shalt  }
0x3e: {  	_ =	shalt  }
0x3f: {  	_ =	shalt  }
0x40: {  	_ =	shalt  }
0x41: {  	_ =	shalt  }
0x42: {  	_ =	shalt  }
0x43: {  	_ =	shalt  }
0x44: {  	_ =	shalt  }
0x45: {  	_ =	shalt  }
0x46: {  	_ =	shalt  }
0x47: {  	_ =	shalt  }
0x48: {  	_ =	shalt  }
0x49: {  	_ =	shalt  }
0x4a: {  	_ =	shalt  }
0x4b: {  	_ =	shalt  }
0x4c: {  	_ =	shalt  }
0x4d: {  	_ =	shalt  }
0x4e: {  	_ =	shalt  }
0x4f: {  	_ =	shalt  }
0x50: {  	_ =	shalt  }
0x51: {  	_ =	shalt  }
0x52: {  	_ =	shalt  }
0x53: {  	_ =	shalt  }
0x54: {  	_ =	shalt  }
0x55: {  	_ =	shalt  }
0x56: {  	_ =	shalt  }
0x57: {  	_ =	shalt  }
0x58: {  	_ =	shalt  }
0x59: {  	_ =	shalt  }
0x5a: {  	_ =	shalt  }
0x5b: {  	_ =	shalt  }
0x5c: {  	_ =	shalt  }
0x5d: {  	_ =	shalt  }
0x5e: {  	_ =	shalt  }
0x5f: {  	_ =	shalt  }
0x60: {  	_ =	shalt  }
0x61: {  	_ =	shalt  }
0x62: {  	_ =	shalt  }
0x63: {  	_ =	shalt  }
0x64: {  	_ =	shalt  }
0x65: {  	_ =	shalt  }
0x66: {  	_ =	shalt  }
0x67: {  	_ =	shalt  }
0x68: {  	_ =	shalt  }
0x69: {  	_ =	shalt  }
0x6a: {  	_ =	shalt  }
0x6b: {  	_ =	shalt  }
0x6c: {  	_ =	shalt  }
0x6d: {  	_ =	shalt  }
0x6e: {  	_ =	shalt  }
0x6f: {  	_ =	shalt  }
0x70: {  	_ =	shalt  }
0x71: {  	_ =	shalt  }
0x72: {  	_ =	shalt  }
0x73: {  	_ =	shalt  }
0x74: {  	_ =	shalt  }
0x75: {  	_ =	shalt  }
0x76: {  	_ =	shalt  }
0x77: {  	_ =	shalt  }
0x78: {  	_ =	shalt  }
0x79: {  	_ =	shalt  }
0x7a: {  	_ =	shalt  }
0x7b: {  	_ =	shalt  }
0x7c: {  	_ =	shalt  }
0x7d: {  	_ =	shalt  }
0x7e: {  	_ =	shalt  }
0x7f: {  	_ =	shalt  }
0x80: {  	_ =	shalt  }
0x81: {  	_ =	shalt  }
0x82: {  	_ =	shalt  }
0x83: {  	_ =	shalt  }
0x84: {  	_ =	shalt  }
0x85: {  	_ =	shalt  }
0x86: {  	_ =	shalt  }
0x87: {  	_ =	shalt  }
.Lfunc_end0:
.L_simem_size_0:
called_computation.1_lowered:
.L_overlay_start_0:
0x88: {  	s2 =	sld [smem:$0x3FD9]  }
0x89: {  	s3 =	sld [smem:$0x3FFE];
	_ =	sdelay $0x1  }
0x8a: {  	s1 =	srdreg.scid  }
0x8b: {  	s0 =	sand.u32 $0x1, s1  }
0x8c: {  	s15 =	sshll.u32 s0, $0xA;
	s2 =	sadd.s32 s3, s2  }
0x8d: {  	s2 =	sadd.s32 s2, s15  }
0x8e: {  	[smem:$0x3FC6] =	sst s2  }
0x8f: {  	_ = 	snop  }
0x90: {  	s2 =	sld [smem:$0x3FD0];
	_ =	sdelay $0x2  }
0x91: {  	s4 =	simm.s32 $0xA;
	s5 =	simm.s32 $0x10;
	s16 =	sld [smem:$0x3FC8]  }
0x92: {  	[smem:s5], [sflag:s4] =	dma.local [hbm:s2], $0x1  }
0x93: {  	_ =	swait.eq [sflag:s4], $0x1  }
0x94: {  	[sflag:s4] =	ssyncset.done $0x0  }
0x95: {  	s17 =	sld [smem:$0x11];
	[sflag:s4] =	ssyncadd.s32 $0xFFFFFFFF  }
0x96: {  	s18 =	sld [smem:$0x12];
	(tm) =	ssettm $0x1  }
0x97: {  	s19 =	sld [smem:$0x3FFB];
	_ =	sdelay $0x3  }
0x98: {  	_ =	strace s19  }
0x99: {  	s5 =	sld [smem:$0x3FFC];
	_ =	sdelay $0x3  }
0x9a: {  	_ =	strace s5  }
0x9b: {  	s5 =	sld [smem:$0x3FFD];
	_ =	sdelay $0x3  }
0x9c: {  	_ =	strace s5  }
0x9d: {  	_ =	strace $0x8FFFFFFF  }
0x9e: {  	s20 =	sld [smem:$0x3FDB];
	_ =	sdelay $0x1  }
0x9f: {  	s6 =	simm.s32 $_scs_section_size  }
0xa0: {  	s7 =	simm.s32 $_size__tile_overlayer_lowered;
	s8 =	simm.s32 $_tile_overlayer_lowered  }
0xa1: {  	s23 =	simm.s32 $0x1BFF;
	s22 =	sshll.u32 s8, $0x1;
	s5 =	sadd.s32 s6, s20  }
0xa2: {  	s9 =	simm.s32 $0x0;
	s21 =	sshll.u32 s7, $0x1;
	s7 =	sadd.s32 s22, s5  }
0xa3: {  	[timem:s9], [sflag:s23] =	dma.local [hbm:s7], s21  }
0xa4: {  	_ =	swait.ge [sflag:s23], s21  }
0xa5: {  	s6 =	ssub.s32 $0x0, s21;
	[sflag:s23] =	ssyncset.done $0x0  }
0xa6: {  	[sflag:s23] =	ssyncadd.s32 s6;
	_ =	sdelay $0x1  }
0xa7: {  	s24 =	simm.s32 $0x1B8B  }
0xa8: {  	_ =	swait.ge [sflag:s24], $0x1  }
0xa9: {  	[sflag:s24] =	ssyncset.done $0x0  }
0xaa: {  	s25 =	simm.s32 $0x1B8E;
	[sflag:s24] =	ssyncadd.s32 $0xFFFFFFFF  }
0xab: {  	s26 =	simm.s32 $execute0_lowered;
	[smem:$0x3FD2] =	sst s25  }
0xac: {  	s6 =	sshll.u32 s26, $0x1;
	_ =	strace $0x80000046;
	[dreg:$0x1] =	wrdreg $0xFFFFFFFF  }
0xad: {  	s28 =	simm.s32 $_size_execute0_lowered;
	s5 =	sadd.s32 s5, s6;
	[dreg:$0x0] =	wrdreg $0x0  }
0xae: {  	s6 =	sshll.u32 s28, $0x1;
	[dreg:$0x2] =	wrdreg s5  }
0xaf: {  	[dreg:$0x3] =	wrdreg s6  }
0xb0: {  	[dreg:$0x4] =	wrdreg $0xC0  }
0xb1: {  	_ =	task [dreg:s9], $0x5FFFF  }
0xb2: {  	[dreg:$0x1] =	wrdreg $0xFFFFFFFF  }
0xb3: {  	[dreg:$0x0] =	wrdreg $0x60  }
0xb4: {  	[dreg:$0x2] =	wrdreg s18  }
0xb5: {  	[dreg:$0x3] =	wrdreg s16  }
0xb6: {  	[dreg:$0x4] =	wrdreg s17  }
0xb7: {  	[dreg:$0x5] =	wrdreg $0x9  }
0xb8: {  	_ =	task.clear_ibuf [dreg:s9], $0x6FFFF;
	_ =	strace $0x90000046  }
0xb9: {  	s29 =	simm.s32 $0x9;
	_ =	strace $0x80000048  }
0xba: {  	_ =	swait.ge [sflag:s29], $0x1  }
0xbb: {  	[sflag:s29] =	ssyncadd.s32 $0xFFFFFFFF  }
0xbc: {  	_ =	strace $0x90000048  }
0xbd: {  	_ =	sfence  }
0xbe: {  	s30 =	sld [smem:$0x0];
	_ =	sdelay $0x2  }
0xbf: {  	s31 =	sshll.u32 s1, $0xD;
	s1 =	sshrl.u32 s1, $0x2  }
0xc0: {  	s3 =	sand.u32 $0x4000, s31;
	s1 =	sadd.s32 s1, s30  }
0xc1: {  	s0 =	sor.u32 s3, s0;
	s1 =	sshll.u32 s1, $0x11  }
0xc2: {  	s0 =	sor.u32 s1, s0  }
0xc3: {  	s0 =	sadd.s32 $0x8F2B, s0  }
0xc4: {  	[sflag:s0] =	ssyncadd.remote.s32 $0x1  }
0xc5: {  	_ =	sfence.sel $0xFFFF  }
0xc6: {  	[dreg:$0x0] =	wrdreg $0xFFFFFFFF;
	(pc) =	sbr.abs _section_cstart, $3  }
0xc7: {  	[dreg:$0x1] =	wrdreg $0xFFFFFFFF  }
0xc8: {  	_ =	task.clear_ibuf [dreg:s9], $0x2FFFF;
	_ =	strace $0x9FFFFFFF  }
0xc9: {  	(tm) =	ssettm $0x7FFFFFFF  }
tec
execute0_lowered:
.L_overlay_start_1:
0x0: {  	(tag) =	ssettag $0x1  }
0x1: {  	s0 =	rddreg [dreg:$0x0]  }
0x2: {  	s2 =	rddreg [dreg:$0x1]  }
0x3: {  	s1 =	rddreg [dreg:$0x2]  }
0x4: {  	s3 =	srdreg.scid;
	s5 =	stileid.u32  }
0x5: {  	s29 =	simm.s32 $0x8080;
	s4 =	sand.u32 $0x1, s3;
	s3 =	simm.s32 $0x0  }
0x6: {  	s5 =	sshll.u32 s5, $0x8;
	s7 =	sadd.s32 $0x300, s2;
	s6 =	sshll.u32 s4, $0x7  }
0x7: {  	s8 =	sadd.s32 $0x400, s2;
	s9 =	sadd.s32 $0x500, s2;
	s5 =	sor.u32 s6, s5  }
0x8: {  	s10 =	sadd.s32 $0x600, s2;
	s11 =	sadd.s32 $0x700, s2;
	s6 =	sshrl.u32 s5, $0x3  }
0x9: {  	[smem:$0x7FF] =	sst s3;
	s5 =	sshll.u32 s5, $0x9;
	s0 =	sadd.s32 s0, s6  }
0xa: {  	_ =	strace $0x80000047;
	s18 =	sadd.s32 s1, s5;
	[dreg:$0x4] =	wrdreg s0  }
0xb: {  	s12 =	sadd.s32 $0x800, s2;
	s14 =	sadd.s32 $0x1000, s18;
	[dreg:$0x14] =	wrdreg s18  }
0xc: {  	s4 =	ssub.s32 $0x2, s4;
	s15 =	sadd.s32 $0x2000, s18;
	[dreg:$0x5] =	wrdreg s14  }
0xd: {  	s13 =	sshrl.u32 s4, $0x1;
	s16 =	sadd.s32 $0x3000, s18;
	[dreg:$0x6] =	wrdreg s15  }
0xe: {  	s1 =	ssub.s32 s4, s13;
	s17 =	sadd.s32 $0x4000, s18;
	[dreg:$0x7] =	wrdreg s16  }
0xf: {  	s5 =	sadd.s32 $0x100, s2;
	s19 =	sadd.s32 $0x5000, s18;
	[dreg:$0x8] =	wrdreg s17  }
0x10: {  	s6 =	sadd.s32 $0x200, s2;
	s20 =	sadd.s32 $0x6000, s18;
	[dreg:$0x9] =	wrdreg s19  }
0x11: {  	s13 =	sadd.s32 $0x900, s2;
	s21 =	sadd.s32 $0x7000, s18;
	[dreg:$0xa] =	wrdreg s20  }
0x12: {  	s4 =	simm.s32 $0x1;
	s22 =	sadd.s32 $0x8000, s18;
	[dreg:$0xb] =	wrdreg s21  }
0x13: {  	s23 =	sadd.s32 $0x9000, s18;
	s24 =	sadd.s32 $0xA000, s18;
	[dreg:$0xc] =	wrdreg s22  }
0x14: {  	s25 =	sadd.s32 $0xB000, s18;
	s26 =	sadd.s32 $0xC000, s18;
	[dreg:$0xd] =	wrdreg s23  }
0x15: {  	s28 =	sadd.s32 $0xD000, s18;
	s30 =	sadd.s32 $0xE000, s18;
	[dreg:$0xe] =	wrdreg s24  }
0x16: {  	s31 =	sadd.s32 $0xF000, s18;
	s18 =	sadd.s32 $0xE00, s2;
	[dreg:$0xf] =	wrdreg s25  }
0x17: {  	s0 =	smax.u32 s1, $0x1;
	s14 =	sadd.s32 $0xA00, s2;
	[dreg:$0x10] =	wrdreg s26  }
0x18: {  	v0 =	vlaneseq.u32;
	s15 =	sadd.s32 $0xB00, s2;
	s16 =	sadd.s32 $0xC00, s2;
	[dreg:$0x11] =	wrdreg s28  }
0x19: {  	v1 =	vshrl.u32 v0, $0x3;
	s17 =	sadd.s32 $0xD00, s2;
	[dreg:$0x12] =	wrdreg s30;
	s19 =	sadd.s32 $0xF00, s2  }
0x1a: {  	vm0 =	vmmov $0xffff;
	v0 =	vand.u32 $0x7, v0;
	v1 =	vmul.u32 $0x8, v1;
	[dreg:$0x13] =	wrdreg s31;
	s21 =	simm.s32 $0x3;
	s23 =	simm.s32 $0x2  }
.LBB2_1:
0x1b: {  	[dreg:$0x15] =	wrdreg s0  }
0x1c: {  	s24 =	rddreg [dreg:$0x4]  }
0x1d: {  	[tilespmem:s3], [sflag:$0x3] =	stream.linear.gather [hbm4b:s24+s3], $0x80, $0x38;
	[tilespmem:$0x10080] =	vst v63  }
0x1e: {  	_ =	swait.ge [sflag:s21], $0x80  }
0x1f: {  	[sflag:s21] =	ssyncset.done $0x0  }
0x20: {  	[sflag:s21] =	ssyncadd.s32 $0xFFFFFF80  }
0x21: {  	v2 =	vld.msk [tilespmem:$0x0], $0xff;
	_ =	sdelay $0x4  }
0x22: {  	v3 =	vshll.u32 v2, $0x5  }
0x23: {  	v2 =	vand.u32 $0x7, v2;
	v3 =	vand.u32 $0xFFFFFF00, v3  }
0x24: {  	v2 =	vor.u32 v2, v3  }
0x25: {  	v2 =	vperm.xlane v2, v0;
	_ =	sdelay $0x1  }
0x26: {  	v2 =	vadd.s32 v1, v2;
	_ =	sdelay $0x3  }
0x27: {  	s20 =	simm.s32 $0x80;
	s25 =	rddreg [dreg:$0x1]  }
0x28: {  	[tilespmem:s20], [sflag:$0x1] =	stream.indirect_vreg.gather [hbm4b:s25+s3], $0x80, v2, vm0, $0xb8;
	[tilespmem:$0x10080] =	vst v63  }
0x29: {  	s22 =	simm.s32 $0x880  }
0x2a: {  	[tilespmem:s22], [sflag:$0x1] =	stream.indirect_vreg.gather [hbm4b:s5+s3], $0x80, v2, vm0, $0xb8;
	[tilespmem:$0x10080] =	vst v63  }
0x2b: {  	s24 =	simm.s32 $0x1080  }
0x2c: {  	[tilespmem:s24], [sflag:$0x1] =	stream.indirect_vreg.gather [hbm4b:s6+s3], $0x80, v2, vm0, $0xb8;
	[tilespmem:$0x10080] =	vst v63  }
0x2d: {  	s26 =	simm.s32 $0x1880  }
0x2e: {  	[tilespmem:s26], [sflag:$0x1] =	stream.indirect_vreg.gather [hbm4b:s7+s3], $0x80, v2, vm0, $0xb8;
	[tilespmem:$0x10080] =	vst v63  }
0x2f: {  	s28 =	simm.s32 $0x2080  }
0x30: {  	[tilespmem:s28], [sflag:$0x1] =	stream.indirect_vreg.gather [hbm4b:s8+s3], $0x80, v2, vm0, $0xb8;
	[tilespmem:$0x10080] =	vst v63  }
0x31: {  	s30 =	simm.s32 $0x2880  }
0x32: {  	[tilespmem:s30], [sflag:$0x1] =	stream.indirect_vreg.gather [hbm4b:s9+s3], $0x80, v2, vm0, $0xb8;
	[tilespmem:$0x10080] =	vst v63  }
0x33: {  	s31 =	simm.s32 $0x3080  }
0x34: {  	[tilespmem:s31], [sflag:$0x1] =	stream.indirect_vreg.gather [hbm4b:s10+s3], $0x80, v2, vm0, $0xb8;
	[tilespmem:$0x10080] =	vst v63  }
0x35: {  	s1 =	simm.s32 $0x3880  }
0x36: {  	[tilespmem:s1], [sflag:$0x1] =	stream.indirect_vreg.gather [hbm4b:s11+s3], $0x80, v2, vm0, $0xb8;
	[tilespmem:$0x10080] =	vst v63  }
0x37: {  	s2 =	simm.s32 $0x4080  }
0x38: {  	[tilespmem:s2], [sflag:$0x1] =	stream.indirect_vreg.gather [hbm4b:s12+s3], $0x80, v2, vm0, $0xb8;
	[tilespmem:$0x10080] =	vst v63  }
0x39: {  	s20 =	simm.s32 $0x4880  }
0x3a: {  	[tilespmem:s20], [sflag:$0x1] =	stream.indirect_vreg.gather [hbm4b:s13+s3], $0x80, v2, vm0, $0xb8;
	[tilespmem:$0x10080] =	vst v63  }
0x3b: {  	s22 =	simm.s32 $0x5080  }
0x3c: {  	[tilespmem:s22], [sflag:$0x1] =	stream.indirect_vreg.gather [hbm4b:s14+s3], $0x80, v2, vm0, $0xb8;
	[tilespmem:$0x10080] =	vst v63  }
0x3d: {  	s24 =	simm.s32 $0x5880  }
0x3e: {  	[tilespmem:s24], [sflag:$0x1] =	stream.indirect_vreg.gather [hbm4b:s15+s3], $0x80, v2, vm0, $0xb8;
	[tilespmem:$0x10080] =	vst v63  }
0x3f: {  	s26 =	simm.s32 $0x6080  }
0x40: {  	[tilespmem:s26], [sflag:$0x1] =	stream.indirect_vreg.gather [hbm4b:s16+s3], $0x80, v2, vm0, $0xb8;
	[tilespmem:$0x10080] =	vst v63  }
0x41: {  	s28 =	simm.s32 $0x6880  }
0x42: {  	[tilespmem:s28], [sflag:$0x1] =	stream.indirect_vreg.gather [hbm4b:s17+s3], $0x80, v2, vm0, $0xb8;
	[tilespmem:$0x10080] =	vst v63  }
0x43: {  	s30 =	simm.s32 $0x7080  }
0x44: {  	[tilespmem:s30], [sflag:$0x1] =	stream.indirect_vreg.gather [hbm4b:s18+s3], $0x80, v2, vm0, $0xb8;
	[tilespmem:$0x10080] =	vst v63  }
0x45: {  	s31 =	simm.s32 $0x7880  }
0x46: {  	[tilespmem:s31], [sflag:$0x1] =	stream.indirect_vreg.gather [hbm4b:s19+s3], $0x80, v2, vm0, $0xb8;
	[tilespmem:$0x10080] =	vst v63  }
0x47: {  	v2 =	vld.msk [tilespmem:$0x8], $0xff;
	_ =	sdelay $0x4  }
0x48: {  	v3 =	vshll.u32 v2, $0x5  }
0x49: {  	v2 =	vand.u32 $0x7, v2;
	v3 =	vand.u32 $0xFFFFFF00, v3  }
0x4a: {  	v2 =	vor.u32 v2, v3  }
0x4b: {  	v2 =	vperm.xlane v2, v0;
	_ =	sdelay $0x1  }
0x4c: {  	v2 =	vadd.s32 v1, v2;
	_ =	sdelay $0x4  }
0x4d: {  	[tilespmem:s29], [sflag:$0x2] =	stream.indirect_vreg.gather [hbm4b:s25+s3], $0x80, v2, vm0, $0xb8;
	[tilespmem:$0x10080] =	vst v63  }
0x4e: {  	s1 =	simm.s32 $0x8880  }
0x4f: {  	[tilespmem:s1], [sflag:$0x2] =	stream.indirect_vreg.gather [hbm4b:s5+s3], $0x80, v2, vm0, $0xb8;
	[tilespmem:$0x10080] =	vst v63  }
0x50: {  	s2 =	simm.s32 $0x9080  }
0x51: {  	[tilespmem:s2], [sflag:$0x2] =	stream.indirect_vreg.gather [hbm4b:s6+s3], $0x80, v2, vm0, $0xb8;
	[tilespmem:$0x10080] =	vst v63  }
0x52: {  	s20 =	simm.s32 $0x9880  }
0x53: {  	[tilespmem:s20], [sflag:$0x2] =	stream.indirect_vreg.gather [hbm4b:s7+s3], $0x80, v2, vm0, $0xb8;
	[tilespmem:$0x10080] =	vst v63  }
0x54: {  	s22 =	simm.s32 $0xA080  }
0x55: {  	[tilespmem:s22], [sflag:$0x2] =	stream.indirect_vreg.gather [hbm4b:s8+s3], $0x80, v2, vm0, $0xb8;
	[tilespmem:$0x10080] =	vst v63  }
0x56: {  	s26 =	simm.s32 $0xA880  }
0x57: {  	[tilespmem:s26], [sflag:$0x2] =	stream.indirect_vreg.gather [hbm4b:s9+s3], $0x80, v2, vm0, $0xb8;
	[tilespmem:$0x10080] =	vst v63  }
0x58: {  	s28 =	simm.s32 $0xB080  }
0x59: {  	[tilespmem:s28], [sflag:$0x2] =	stream.indirect_vreg.gather [hbm4b:s10+s3], $0x80, v2, vm0, $0xb8;
	[tilespmem:$0x10080] =	vst v63  }
0x5a: {  	s30 =	simm.s32 $0xB880  }
0x5b: {  	[tilespmem:s30], [sflag:$0x2] =	stream.indirect_vreg.gather [hbm4b:s11+s3], $0x80, v2, vm0, $0xb8;
	[tilespmem:$0x10080] =	vst v63  }
0x5c: {  	s31 =	simm.s32 $0xC080  }
0x5d: {  	[tilespmem:s31], [sflag:$0x2] =	stream.indirect_vreg.gather [hbm4b:s12+s3], $0x80, v2, vm0, $0xb8;
	[tilespmem:$0x10080] =	vst v63  }
0x5e: {  	s0 =	simm.s32 $0xC880  }
0x5f: {  	[tilespmem:s0], [sflag:$0x2] =	stream.indirect_vreg.gather [hbm4b:s13+s3], $0x80, v2, vm0, $0xb8;
	[tilespmem:$0x10080] =	vst v63  }
0x60: {  	s1 =	simm.s32 $0xD080  }
0x61: {  	[tilespmem:s1], [sflag:$0x2] =	stream.indirect_vreg.gather [hbm4b:s14+s3], $0x80, v2, vm0, $0xb8;
	[tilespmem:$0x10080] =	vst v63  }
0x62: {  	s2 =	simm.s32 $0xD880  }
0x63: {  	[tilespmem:s2], [sflag:$0x2] =	stream.indirect_vreg.gather [hbm4b:s15+s3], $0x80, v2, vm0, $0xb8;
	[tilespmem:$0x10080] =	vst v63  }
0x64: {  	s20 =	simm.s32 $0xE080  }
0x65: {  	[tilespmem:s20], [sflag:$0x2] =	stream.indirect_vreg.gather [hbm4b:s16+s3], $0x80, v2, vm0, $0xb8;
	[tilespmem:$0x10080] =	vst v63  }
0x66: {  	s22 =	simm.s32 $0xE880  }
0x67: {  	[tilespmem:s22], [sflag:$0x2] =	stream.indirect_vreg.gather [hbm4b:s17+s3], $0x80, v2, vm0, $0xb8;
	[tilespmem:$0x10080] =	vst v63  }
0x68: {  	s26 =	simm.s32 $0xF080  }
0x69: {  	[tilespmem:s26], [sflag:$0x2] =	stream.indirect_vreg.gather [hbm4b:s18+s3], $0x80, v2, vm0, $0xb8;
	[tilespmem:$0x10080] =	vst v63  }
0x6a: {  	s28 =	simm.s32 $0xF880  }
0x6b: {  	[tilespmem:s28], [sflag:$0x2] =	stream.indirect_vreg.gather [hbm4b:s19+s3], $0x80, v2, vm0, $0xb8;
	[tilespmem:$0x10080] =	vst v63  }
0x6c: {  	_ =	swait.ge [sflag:s4], $0x8000  }
0x6d: {  	[sflag:s4] =	ssyncset.done $0x0  }
0x6e: {  	s31 =	simm.s32 $0x80;
	s30 =	rddreg [dreg:$0x14];
	[sflag:s4] =	ssyncadd.s32 $0xFFFF8000  }
0x6f: {  	[hbm4b:s30+s3] =	stream.linear.scatter [tilespmem:s31], [sflag:$0x3], $0x8000, $0x38;
	[tilespmem:$0x10080] =	vst v63  }
0x70: {  	_ =	swait.ge [sflag:s21], $0x8000  }
0x71: {  	[sflag:s21] =	ssyncset.done $0x0  }
0x72: {  	[sflag:s21] =	ssyncadd.s32 $0xFFFF8000  }
0x73: {  	v2 =	vld.msk [tilespmem:$0x10], $0xff;
	_ =	sdelay $0x4  }
0x74: {  	v3 =	vshll.u32 v2, $0x5  }
0x75: {  	v2 =	vand.u32 $0x7, v2;
	v3 =	vand.u32 $0xFFFFFF00, v3  }
0x76: {  	v2 =	vor.u32 v2, v3  }
0x77: {  	v2 =	vperm.xlane v2, v0;
	_ =	sdelay $0x1  }
0x78: {  	v2 =	vadd.s32 v1, v2;
	_ =	sdelay $0x4  }
0x79: {  	[tilespmem:s31], [sflag:$0x1] =	stream.indirect_vreg.gather [hbm4b:s25+s3], $0x80, v2, vm0, $0xb8;
	[tilespmem:$0x10080] =	vst v63  }
0x7a: {  	s1 =	simm.s32 $0x880  }
0x7b: {  	[tilespmem:s1], [sflag:$0x1] =	stream.indirect_vreg.gather [hbm4b:s5+s3], $0x80, v2, vm0, $0xb8;
	[tilespmem:$0x10080] =	vst v63  }
0x7c: {  	s2 =	simm.s32 $0x1080  }
0x7d: {  	[tilespmem:s2], [sflag:$0x1] =	stream.indirect_vreg.gather [hbm4b:s6+s3], $0x80, v2, vm0, $0xb8;
	[tilespmem:$0x10080] =	vst v63  }
0x7e: {  	s20 =	simm.s32 $0x1880  }
0x7f: {  	[tilespmem:s20], [sflag:$0x1] =	stream.indirect_vreg.gather [hbm4b:s7+s3], $0x80, v2, vm0, $0xb8;
	[tilespmem:$0x10080] =	vst v63  }
0x80: {  	s22 =	simm.s32 $0x2080  }
0x81: {  	[tilespmem:s22], [sflag:$0x1] =	stream.indirect_vreg.gather [hbm4b:s8+s3], $0x80, v2, vm0, $0xb8;
	[tilespmem:$0x10080] =	vst v63  }
0x82: {  	s24 =	simm.s32 $0x2880  }
0x83: {  	[tilespmem:s24], [sflag:$0x1] =	stream.indirect_vreg.gather [hbm4b:s9+s3], $0x80, v2, vm0, $0xb8;
	[tilespmem:$0x10080] =	vst v63  }
0x84: {  	s30 =	simm.s32 $0x3080  }
0x85: {  	[tilespmem:s30], [sflag:$0x1] =	stream.indirect_vreg.gather [hbm4b:s10+s3], $0x80, v2, vm0, $0xb8;
	[tilespmem:$0x10080] =	vst v63  }
0x86: {  	s31 =	simm.s32 $0x3880  }
0x87: {  	[tilespmem:s31], [sflag:$0x1] =	stream.indirect_vreg.gather [hbm4b:s11+s3], $0x80, v2, vm0, $0xb8;
	[tilespmem:$0x10080] =	vst v63  }
0x88: {  	s26 =	simm.s32 $0x4080  }
0x89: {  	[tilespmem:s26], [sflag:$0x1] =	stream.indirect_vreg.gather [hbm4b:s12+s3], $0x80, v2, vm0, $0xb8;
	[tilespmem:$0x10080] =	vst v63  }
0x8a: {  	s28 =	simm.s32 $0x4880  }
0x8b: {  	[tilespmem:s28], [sflag:$0x1] =	stream.indirect_vreg.gather [hbm4b:s13+s3], $0x80, v2, vm0, $0xb8;
	[tilespmem:$0x10080] =	vst v63  }
0x8c: {  	s1 =	simm.s32 $0x5080  }
0x8d: {  	[tilespmem:s1], [sflag:$0x1] =	stream.indirect_vreg.gather [hbm4b:s14+s3], $0x80, v2, vm0, $0xb8;
	[tilespmem:$0x10080] =	vst v63  }
0x8e: {  	s2 =	simm.s32 $0x5880  }
0x8f: {  	[tilespmem:s2], [sflag:$0x1] =	stream.indirect_vreg.gather [hbm4b:s15+s3], $0x80, v2, vm0, $0xb8;
	[tilespmem:$0x10080] =	vst v63  }
0x90: {  	s20 =	simm.s32 $0x6080  }
0x91: {  	[tilespmem:s20], [sflag:$0x1] =	stream.indirect_vreg.gather [hbm4b:s16+s3], $0x80, v2, vm0, $0xb8;
	[tilespmem:$0x10080] =	vst v63  }
0x92: {  	s22 =	simm.s32 $0x6880  }
0x93: {  	[tilespmem:s22], [sflag:$0x1] =	stream.indirect_vreg.gather [hbm4b:s17+s3], $0x80, v2, vm0, $0xb8;
	[tilespmem:$0x10080] =	vst v63  }
0x94: {  	s26 =	simm.s32 $0x7080  }
0x95: {  	[tilespmem:s26], [sflag:$0x1] =	stream.indirect_vreg.gather [hbm4b:s18+s3], $0x80, v2, vm0, $0xb8;
	[tilespmem:$0x10080] =	vst v63  }
0x96: {  	s28 =	simm.s32 $0x7880  }
0x97: {  	[tilespmem:s28], [sflag:$0x1] =	stream.indirect_vreg.gather [hbm4b:s19+s3], $0x80, v2, vm0, $0xb8;
	[tilespmem:$0x10080] =	vst v63  }
0x98: {  	_ =	swait.ge [sflag:s23], $0x8000  }
0x99: {  	[sflag:s23] =	ssyncset.done $0x0  }
0x9a: {  	s0 =	rddreg [dreg:$0x5];
	[sflag:s23] =	ssyncadd.s32 $0xFFFF8000  }
0x9b: {  	[hbm4b:s0+s3] =	stream.linear.scatter [tilespmem:s29], [sflag:$0x3], $0x8000, $0x38;
	[tilespmem:$0x10080] =	vst v63  }
0x9c: {  	_ =	swait.ge [sflag:s21], $0x8000  }
0x9d: {  	[sflag:s21] =	ssyncset.done $0x0  }
0x9e: {  	[sflag:s21] =	ssyncadd.s32 $0xFFFF8000  }
0x9f: {  	v2 =	vld.msk [tilespmem:$0x18], $0xff;
	_ =	sdelay $0x4  }
0xa0: {  	v3 =	vshll.u32 v2, $0x5  }
0xa1: {  	v2 =	vand.u32 $0x7, v2;
	v3 =	vand.u32 $0xFFFFFF00, v3  }
0xa2: {  	v2 =	vor.u32 v2, v3  }
0xa3: {  	v2 =	vperm.xlane v2, v0;
	_ =	sdelay $0x1  }
0xa4: {  	v2 =	vadd.s32 v1, v2;
	_ =	sdelay $0x4  }
0xa5: {  	[tilespmem:s29], [sflag:$0x2] =	stream.indirect_vreg.gather [hbm4b:s25+s3], $0x80, v2, vm0, $0xb8;
	[tilespmem:$0x10080] =	vst v63  }
0xa6: {  	s24 =	simm.s32 $0x8880  }
0xa7: {  	[tilespmem:s24], [sflag:$0x2] =	stream.indirect_vreg.gather [hbm4b:s5+s3], $0x80, v2, vm0, $0xb8;
	[tilespmem:$0x10080] =	vst v63  }
0xa8: {  	s24 =	simm.s32 $0x9080  }
0xa9: {  	[tilespmem:s24], [sflag:$0x2] =	stream.indirect_vreg.gather [hbm4b:s6+s3], $0x80, v2, vm0, $0xb8;
	[tilespmem:$0x10080] =	vst v63  }
0xaa: {  	s24 =	simm.s32 $0x9880  }
0xab: {  	[tilespmem:s24], [sflag:$0x2] =	stream.indirect_vreg.gather [hbm4b:s7+s3], $0x80, v2, vm0, $0xb8;
	[tilespmem:$0x10080] =	vst v63  }
0xac: {  	s24 =	simm.s32 $0xA080  }
0xad: {  	[tilespmem:s24], [sflag:$0x2] =	stream.indirect_vreg.gather [hbm4b:s8+s3], $0x80, v2, vm0, $0xb8;
	[tilespmem:$0x10080] =	vst v63  }
0xae: {  	s24 =	simm.s32 $0xA880  }
0xaf: {  	[tilespmem:s24], [sflag:$0x2] =	stream.indirect_vreg.gather [hbm4b:s9+s3], $0x80, v2, vm0, $0xb8;
	[tilespmem:$0x10080] =	vst v63  }
0xb0: {  	s24 =	simm.s32 $0xB080  }
0xb1: {  	[tilespmem:s24], [sflag:$0x2] =	stream.indirect_vreg.gather [hbm4b:s10+s3], $0x80, v2, vm0, $0xb8;
	[tilespmem:$0x10080] =	vst v63  }
0xb2: {  	s24 =	simm.s32 $0xB880  }
0xb3: {  	[tilespmem:s24], [sflag:$0x2] =	stream.indirect_vreg.gather [hbm4b:s11+s3], $0x80, v2, vm0, $0xb8;
	[tilespmem:$0x10080] =	vst v63  }
0xb4: {  	s24 =	simm.s32 $0xC080  }
0xb5: {  	[tilespmem:s24], [sflag:$0x2] =	stream.indirect_vreg.gather [hbm4b:s12+s3], $0x80, v2, vm0, $0xb8;
	[tilespmem:$0x10080] =	vst v63  }
0xb6: {  	s24 =	simm.s32 $0xC880  }
0xb7: {  	[tilespmem:s24], [sflag:$0x2] =	stream.indirect_vreg.gather [hbm4b:s13+s3], $0x80, v2, vm0, $0xb8;
	[tilespmem:$0x10080] =	vst v63  }
0xb8: {  	s24 =	simm.s32 $0xD080  }
0xb9: {  	[tilespmem:s24], [sflag:$0x2] =	stream.indirect_vreg.gather [hbm4b:s14+s3], $0x80, v2, vm0, $0xb8;
	[tilespmem:$0x10080] =	vst v63  }
0xba: {  	s24 =	simm.s32 $0xD880  }
0xbb: {  	[tilespmem:s24], [sflag:$0x2] =	stream.indirect_vreg.gather [hbm4b:s15+s3], $0x80, v2, vm0, $0xb8;
	[tilespmem:$0x10080] =	vst v63  }
0xbc: {  	s24 =	simm.s32 $0xE080  }
0xbd: {  	[tilespmem:s24], [sflag:$0x2] =	stream.indirect_vreg.gather [hbm4b:s16+s3], $0x80, v2, vm0, $0xb8;
	[tilespmem:$0x10080] =	vst v63  }
0xbe: {  	s24 =	simm.s32 $0xE880  }
0xbf: {  	[tilespmem:s24], [sflag:$0x2] =	stream.indirect_vreg.gather [hbm4b:s17+s3], $0x80, v2, vm0, $0xb8;
	[tilespmem:$0x10080] =	vst v63  }
0xc0: {  	s24 =	simm.s32 $0xF080  }
0xc1: {  	[tilespmem:s24], [sflag:$0x2] =	stream.indirect_vreg.gather [hbm4b:s18+s3], $0x80, v2, vm0, $0xb8;
	[tilespmem:$0x10080] =	vst v63  }
0xc2: {  	s24 =	simm.s32 $0xF880  }
0xc3: {  	[tilespmem:s24], [sflag:$0x2] =	stream.indirect_vreg.gather [hbm4b:s19+s3], $0x80, v2, vm0, $0xb8;
	[tilespmem:$0x10080] =	vst v63  }
0xc4: {  	_ =	swait.ge [sflag:s4], $0x8000  }
0xc5: {  	[sflag:s4] =	ssyncset.done $0x0  }
0xc6: {  	s0 =	simm.s32 $0x80;
	s24 =	rddreg [dreg:$0x6];
	[sflag:s4] =	ssyncadd.s32 $0xFFFF8000  }
0xc7: {  	[hbm4b:s24+s3] =	stream.linear.scatter [tilespmem:s0], [sflag:$0x3], $0x8000, $0x38;
	[tilespmem:$0x10080] =	vst v63  }
0xc8: {  	_ =	swait.ge [sflag:s21], $0x8000  }
0xc9: {  	[sflag:s21] =	ssyncset.done $0x0  }
0xca: {  	[sflag:s21] =	ssyncadd.s32 $0xFFFF8000  }
0xcb: {  	v2 =	vld.msk [tilespmem:$0x20], $0xff;
	_ =	sdelay $0x4  }
0xcc: {  	v3 =	vshll.u32 v2, $0x5  }
0xcd: {  	v2 =	vand.u32 $0x7, v2;
	v3 =	vand.u32 $0xFFFFFF00, v3  }
0xce: {  	v2 =	vor.u32 v2, v3  }
0xcf: {  	v2 =	vperm.xlane v2, v0;
	_ =	sdelay $0x1  }
0xd0: {  	v2 =	vadd.s32 v1, v2;
	_ =	sdelay $0x4  }
0xd1: {  	[tilespmem:s0], [sflag:$0x1] =	stream.indirect_vreg.gather [hbm4b:s25+s3], $0x80, v2, vm0, $0xb8;
	[tilespmem:$0x10080] =	vst v63  }
0xd2: {  	s24 =	simm.s32 $0x880  }
0xd3: {  	[tilespmem:s24], [sflag:$0x1] =	stream.indirect_vreg.gather [hbm4b:s5+s3], $0x80, v2, vm0, $0xb8;
	[tilespmem:$0x10080] =	vst v63  }
0xd4: {  	s24 =	simm.s32 $0x1080  }
0xd5: {  	[tilespmem:s24], [sflag:$0x1] =	stream.indirect_vreg.gather [hbm4b:s6+s3], $0x80, v2, vm0, $0xb8;
	[tilespmem:$0x10080] =	vst v63  }
0xd6: {  	s24 =	simm.s32 $0x1880  }
0xd7: {  	[tilespmem:s24], [sflag:$0x1] =	stream.indirect_vreg.gather [hbm4b:s7+s3], $0x80, v2, vm0, $0xb8;
	[tilespmem:$0x10080] =	vst v63  }
0xd8: {  	s24 =	simm.s32 $0x2080  }
0xd9: {  	[tilespmem:s24], [sflag:$0x1] =	stream.indirect_vreg.gather [hbm4b:s8+s3], $0x80, v2, vm0, $0xb8;
	[tilespmem:$0x10080] =	vst v63  }
0xda: {  	s24 =	simm.s32 $0x2880  }
0xdb: {  	[tilespmem:s24], [sflag:$0x1] =	stream.indirect_vreg.gather [hbm4b:s9+s3], $0x80, v2, vm0, $0xb8;
	[tilespmem:$0x10080] =	vst v63  }
0xdc: {  	_ = 	snop  }
0xdd: {  	[tilespmem:s30], [sflag:$0x1] =	stream.indirect_vreg.gather [hbm4b:s10+s3], $0x80, v2, vm0, $0xb8;
	[tilespmem:$0x10080] =	vst v63  }
0xde: {  	_ = 	snop  }
0xdf: {  	[tilespmem:s31], [sflag:$0x1] =	stream.indirect_vreg.gather [hbm4b:s11+s3], $0x80, v2, vm0, $0xb8;
	[tilespmem:$0x10080] =	vst v63  }
0xe0: {  	s30 =	simm.s32 $0x4080  }
0xe1: {  	[tilespmem:s30], [sflag:$0x1] =	stream.indirect_vreg.gather [hbm4b:s12+s3], $0x80, v2, vm0, $0xb8;
	[tilespmem:$0x10080] =	vst v63  }
0xe2: {  	s31 =	simm.s32 $0x4880  }
0xe3: {  	[tilespmem:s31], [sflag:$0x1] =	stream.indirect_vreg.gather [hbm4b:s13+s3], $0x80, v2, vm0, $0xb8;
	[tilespmem:$0x10080] =	vst v63  }
0xe4: {  	_ = 	snop  }
0xe5: {  	[tilespmem:s1], [sflag:$0x1] =	stream.indirect_vreg.gather [hbm4b:s14+s3], $0x80, v2, vm0, $0xb8;
	[tilespmem:$0x10080] =	vst v63  }
0xe6: {  	_ = 	snop  }
0xe7: {  	[tilespmem:s2], [sflag:$0x1] =	stream.indirect_vreg.gather [hbm4b:s15+s3], $0x80, v2, vm0, $0xb8;
	[tilespmem:$0x10080] =	vst v63  }
0xe8: {  	_ = 	snop  }
0xe9: {  	[tilespmem:s20], [sflag:$0x1] =	stream.indirect_vreg.gather [hbm4b:s16+s3], $0x80, v2, vm0, $0xb8;
	[tilespmem:$0x10080] =	vst v63  }
0xea: {  	_ = 	snop  }
0xeb: {  	[tilespmem:s22], [sflag:$0x1] =	stream.indirect_vreg.gather [hbm4b:s17+s3], $0x80, v2, vm0, $0xb8;
	[tilespmem:$0x10080] =	vst v63  }
0xec: {  	_ = 	snop  }
0xed: {  	[tilespmem:s26], [sflag:$0x1] =	stream.indirect_vreg.gather [hbm4b:s18+s3], $0x80, v2, vm0, $0xb8;
	[tilespmem:$0x10080] =	vst v63  }
0xee: {  	_ = 	snop  }
0xef: {  	[tilespmem:s28], [sflag:$0x1] =	stream.indirect_vreg.gather [hbm4b:s19+s3], $0x80, v2, vm0, $0xb8;
	[tilespmem:$0x10080] =	vst v63  }
0xf0: {  	_ =	swait.ge [sflag:s23], $0x8000  }
0xf1: {  	[sflag:s23] =	ssyncset.done $0x0  }
0xf2: {  	s20 =	rddreg [dreg:$0x7];
	[sflag:s23] =	ssyncadd.s32 $0xFFFF8000  }
0xf3: {  	[hbm4b:s20+s3] =	stream.linear.scatter [tilespmem:s29], [sflag:$0x3], $0x8000, $0x38;
	[tilespmem:$0x10080] =	vst v63  }
0xf4: {  	_ =	swait.ge [sflag:s21], $0x8000  }
0xf5: {  	[sflag:s21] =	ssyncset.done $0x0  }
0xf6: {  	[sflag:s21] =	ssyncadd.s32 $0xFFFF8000  }
0xf7: {  	v2 =	vld.msk [tilespmem:$0x28], $0xff;
	_ =	sdelay $0x4  }
0xf8: {  	v3 =	vshll.u32 v2, $0x5  }
0xf9: {  	v2 =	vand.u32 $0x7, v2;
	v3 =	vand.u32 $0xFFFFFF00, v3  }
0xfa: {  	v2 =	vor.u32 v2, v3  }
0xfb: {  	v2 =	vperm.xlane v2, v0;
	_ =	sdelay $0x1  }
0xfc: {  	v2 =	vadd.s32 v1, v2;
	_ =	sdelay $0x4  }
0xfd: {  	[tilespmem:s29], [sflag:$0x2] =	stream.indirect_vreg.gather [hbm4b:s25+s3], $0x80, v2, vm0, $0xb8;
	[tilespmem:$0x10080] =	vst v63  }
0xfe: {  	s22 =	simm.s32 $0x8880  }
0xff: {  	[tilespmem:s22], [sflag:$0x2] =	stream.indirect_vreg.gather [hbm4b:s5+s3], $0x80, v2, vm0, $0xb8;
	[tilespmem:$0x10080] =	vst v63  }
0x100: {  	s28 =	simm.s32 $0x9080  }
0x101: {  	[tilespmem:s28], [sflag:$0x2] =	stream.indirect_vreg.gather [hbm4b:s6+s3], $0x80, v2, vm0, $0xb8;
	[tilespmem:$0x10080] =	vst v63  }
0x102: {  	s1 =	simm.s32 $0x9880  }
0x103: {  	[tilespmem:s1], [sflag:$0x2] =	stream.indirect_vreg.gather [hbm4b:s7+s3], $0x80, v2, vm0, $0xb8;
	[tilespmem:$0x10080] =	vst v63  }
0x104: {  	s2 =	simm.s32 $0xA080  }
0x105: {  	[tilespmem:s2], [sflag:$0x2] =	stream.indirect_vreg.gather [hbm4b:s8+s3], $0x80, v2, vm0, $0xb8;
	[tilespmem:$0x10080] =	vst v63  }
0x106: {  	s20 =	simm.s32 $0xA880  }
0x107: {  	[tilespmem:s20], [sflag:$0x2] =	stream.indirect_vreg.gather [hbm4b:s9+s3], $0x80, v2, vm0, $0xb8;
	[tilespmem:$0x10080] =	vst v63  }
0x108: {  	s22 =	simm.s32 $0xB080  }
0x109: {  	[tilespmem:s22], [sflag:$0x2] =	stream.indirect_vreg.gather [hbm4b:s10+s3], $0x80, v2, vm0, $0xb8;
	[tilespmem:$0x10080] =	vst v63  }
0x10a: {  	s30 =	simm.s32 $0xB880  }
0x10b: {  	[tilespmem:s30], [sflag:$0x2] =	stream.indirect_vreg.gather [hbm4b:s11+s3], $0x80, v2, vm0, $0xb8;
	[tilespmem:$0x10080] =	vst v63  }
0x10c: {  	s31 =	simm.s32 $0xC080  }
0x10d: {  	[tilespmem:s31], [sflag:$0x2] =	stream.indirect_vreg.gather [hbm4b:s12+s3], $0x80, v2, vm0, $0xb8;
	[tilespmem:$0x10080] =	vst v63  }
0x10e: {  	s26 =	simm.s32 $0xC880  }
0x10f: {  	[tilespmem:s26], [sflag:$0x2] =	stream.indirect_vreg.gather [hbm4b:s13+s3], $0x80, v2, vm0, $0xb8;
	[tilespmem:$0x10080] =	vst v63  }
0x110: {  	s24 =	simm.s32 $0xD080  }
0x111: {  	[tilespmem:s24], [sflag:$0x2] =	stream.indirect_vreg.gather [hbm4b:s14+s3], $0x80, v2, vm0, $0xb8;
	[tilespmem:$0x10080] =	vst v63  }
0x112: {  	s24 =	simm.s32 $0xD880  }
0x113: {  	[tilespmem:s24], [sflag:$0x2] =	stream.indirect_vreg.gather [hbm4b:s15+s3], $0x80, v2, vm0, $0xb8;
	[tilespmem:$0x10080] =	vst v63  }
0x114: {  	s24 =	simm.s32 $0xE080  }
0x115: {  	[tilespmem:s24], [sflag:$0x2] =	stream.indirect_vreg.gather [hbm4b:s16+s3], $0x80, v2, vm0, $0xb8;
	[tilespmem:$0x10080] =	vst v63  }
0x116: {  	s24 =	simm.s32 $0xE880  }
0x117: {  	[tilespmem:s24], [sflag:$0x2] =	stream.indirect_vreg.gather [hbm4b:s17+s3], $0x80, v2, vm0, $0xb8;
	[tilespmem:$0x10080] =	vst v63  }
0x118: {  	s24 =	simm.s32 $0xF080  }
0x119: {  	[tilespmem:s24], [sflag:$0x2] =	stream.indirect_vreg.gather [hbm4b:s18+s3], $0x80, v2, vm0, $0xb8;
	[tilespmem:$0x10080] =	vst v63  }
0x11a: {  	s24 =	simm.s32 $0xF880  }
0x11b: {  	[tilespmem:s24], [sflag:$0x2] =	stream.indirect_vreg.gather [hbm4b:s19+s3], $0x80, v2, vm0, $0xb8;
	[tilespmem:$0x10080] =	vst v63  }
0x11c: {  	_ =	swait.ge [sflag:s4], $0x8000  }
0x11d: {  	[sflag:s4] =	ssyncset.done $0x0  }
0x11e: {  	s0 =	simm.s32 $0x80;
	s24 =	rddreg [dreg:$0x8];
	[sflag:s4] =	ssyncadd.s32 $0xFFFF8000  }
0x11f: {  	[hbm4b:s24+s3] =	stream.linear.scatter [tilespmem:s0], [sflag:$0x3], $0x8000, $0x38;
	[tilespmem:$0x10080] =	vst v63  }
0x120: {  	_ =	swait.ge [sflag:s21], $0x8000  }
0x121: {  	[sflag:s21] =	ssyncset.done $0x0  }
0x122: {  	[sflag:s21] =	ssyncadd.s32 $0xFFFF8000  }
0x123: {  	v2 =	vld.msk [tilespmem:$0x30], $0xff;
	_ =	sdelay $0x4  }
0x124: {  	v3 =	vshll.u32 v2, $0x5  }
0x125: {  	v2 =	vand.u32 $0x7, v2;
	v3 =	vand.u32 $0xFFFFFF00, v3  }
0x126: {  	v2 =	vor.u32 v2, v3  }
0x127: {  	v2 =	vperm.xlane v2, v0;
	_ =	sdelay $0x1  }
0x128: {  	v2 =	vadd.s32 v1, v2;
	_ =	sdelay $0x4  }
0x129: {  	[tilespmem:s0], [sflag:$0x1] =	stream.indirect_vreg.gather [hbm4b:s25+s3], $0x80, v2, vm0, $0xb8;
	[tilespmem:$0x10080] =	vst v63  }
0x12a: {  	s0 =	simm.s32 $0x880  }
0x12b: {  	[tilespmem:s0], [sflag:$0x1] =	stream.indirect_vreg.gather [hbm4b:s5+s3], $0x80, v2, vm0, $0xb8;
	[tilespmem:$0x10080] =	vst v63  }
0x12c: {  	s24 =	simm.s32 $0x1080  }
0x12d: {  	[tilespmem:s24], [sflag:$0x1] =	stream.indirect_vreg.gather [hbm4b:s6+s3], $0x80, v2, vm0, $0xb8;
	[tilespmem:$0x10080] =	vst v63  }
0x12e: {  	s24 =	simm.s32 $0x1880  }
0x12f: {  	[tilespmem:s24], [sflag:$0x1] =	stream.indirect_vreg.gather [hbm4b:s7+s3], $0x80, v2, vm0, $0xb8;
	[tilespmem:$0x10080] =	vst v63  }
0x130: {  	s24 =	simm.s32 $0x2080  }
0x131: {  	[tilespmem:s24], [sflag:$0x1] =	stream.indirect_vreg.gather [hbm4b:s8+s3], $0x80, v2, vm0, $0xb8;
	[tilespmem:$0x10080] =	vst v63  }
0x132: {  	s24 =	simm.s32 $0x2880  }
0x133: {  	[tilespmem:s24], [sflag:$0x1] =	stream.indirect_vreg.gather [hbm4b:s9+s3], $0x80, v2, vm0, $0xb8;
	[tilespmem:$0x10080] =	vst v63  }
0x134: {  	s24 =	simm.s32 $0x3080  }
0x135: {  	[tilespmem:s24], [sflag:$0x1] =	stream.indirect_vreg.gather [hbm4b:s10+s3], $0x80, v2, vm0, $0xb8;
	[tilespmem:$0x10080] =	vst v63  }
0x136: {  	s24 =	simm.s32 $0x3880  }
0x137: {  	[tilespmem:s24], [sflag:$0x1] =	stream.indirect_vreg.gather [hbm4b:s11+s3], $0x80, v2, vm0, $0xb8;
	[tilespmem:$0x10080] =	vst v63  }
0x138: {  	s24 =	simm.s32 $0x4080  }
0x139: {  	[tilespmem:s24], [sflag:$0x1] =	stream.indirect_vreg.gather [hbm4b:s12+s3], $0x80, v2, vm0, $0xb8;
	[tilespmem:$0x10080] =	vst v63  }
0x13a: {  	s24 =	simm.s32 $0x4880  }
0x13b: {  	[tilespmem:s24], [sflag:$0x1] =	stream.indirect_vreg.gather [hbm4b:s13+s3], $0x80, v2, vm0, $0xb8;
	[tilespmem:$0x10080] =	vst v63  }
0x13c: {  	s24 =	simm.s32 $0x5080  }
0x13d: {  	[tilespmem:s24], [sflag:$0x1] =	stream.indirect_vreg.gather [hbm4b:s14+s3], $0x80, v2, vm0, $0xb8;
	[tilespmem:$0x10080] =	vst v63  }
0x13e: {  	s24 =	simm.s32 $0x5880  }
0x13f: {  	[tilespmem:s24], [sflag:$0x1] =	stream.indirect_vreg.gather [hbm4b:s15+s3], $0x80, v2, vm0, $0xb8;
	[tilespmem:$0x10080] =	vst v63  }
0x140: {  	s24 =	simm.s32 $0x6080  }
0x141: {  	[tilespmem:s24], [sflag:$0x1] =	stream.indirect_vreg.gather [hbm4b:s16+s3], $0x80, v2, vm0, $0xb8;
	[tilespmem:$0x10080] =	vst v63  }
0x142: {  	s24 =	simm.s32 $0x6880  }
0x143: {  	[tilespmem:s24], [sflag:$0x1] =	stream.indirect_vreg.gather [hbm4b:s17+s3], $0x80, v2, vm0, $0xb8;
	[tilespmem:$0x10080] =	vst v63  }
0x144: {  	s24 =	simm.s32 $0x7080  }
0x145: {  	[tilespmem:s24], [sflag:$0x1] =	stream.indirect_vreg.gather [hbm4b:s18+s3], $0x80, v2, vm0, $0xb8;
	[tilespmem:$0x10080] =	vst v63  }
0x146: {  	s24 =	simm.s32 $0x7880  }
0x147: {  	[tilespmem:s24], [sflag:$0x1] =	stream.indirect_vreg.gather [hbm4b:s19+s3], $0x80, v2, vm0, $0xb8;
	[tilespmem:$0x10080] =	vst v63  }
0x148: {  	_ =	swait.ge [sflag:s23], $0x8000  }
0x149: {  	[sflag:s23] =	ssyncset.done $0x0  }
0x14a: {  	s24 =	rddreg [dreg:$0x9];
	[sflag:s23] =	ssyncadd.s32 $0xFFFF8000  }
0x14b: {  	[hbm4b:s24+s3] =	stream.linear.scatter [tilespmem:s29], [sflag:$0x3], $0x8000, $0x38;
	[tilespmem:$0x10080] =	vst v63  }
0x14c: {  	_ =	swait.ge [sflag:s21], $0x8000  }
0x14d: {  	[sflag:s21] =	ssyncset.done $0x0  }
0x14e: {  	[sflag:s21] =	ssyncadd.s32 $0xFFFF8000  }
0x14f: {  	v2 =	vld.msk [tilespmem:$0x38], $0xff;
	_ =	sdelay $0x4  }
0x150: {  	v3 =	vshll.u32 v2, $0x5  }
0x151: {  	v2 =	vand.u32 $0x7, v2;
	v3 =	vand.u32 $0xFFFFFF00, v3  }
0x152: {  	v2 =	vor.u32 v2, v3  }
0x153: {  	v2 =	vperm.xlane v2, v0;
	_ =	sdelay $0x1  }
0x154: {  	v2 =	vadd.s32 v1, v2;
	_ =	sdelay $0x4  }
0x155: {  	[tilespmem:s29], [sflag:$0x2] =	stream.indirect_vreg.gather [hbm4b:s25+s3], $0x80, v2, vm0, $0xb8;
	[tilespmem:$0x10080] =	vst v63  }
0x156: {  	s24 =	simm.s32 $0x8880  }
0x157: {  	[tilespmem:s24], [sflag:$0x2] =	stream.indirect_vreg.gather [hbm4b:s5+s3], $0x80, v2, vm0, $0xb8;
	[tilespmem:$0x10080] =	vst v63  }
0x158: {  	_ = 	snop  }
0x159: {  	[tilespmem:s28], [sflag:$0x2] =	stream.indirect_vreg.gather [hbm4b:s6+s3], $0x80, v2, vm0, $0xb8;
	[tilespmem:$0x10080] =	vst v63  }
0x15a: {  	_ = 	snop  }
0x15b: {  	[tilespmem:s1], [sflag:$0x2] =	stream.indirect_vreg.gather [hbm4b:s7+s3], $0x80, v2, vm0, $0xb8;
	[tilespmem:$0x10080] =	vst v63  }
0x15c: {  	_ = 	snop  }
0x15d: {  	[tilespmem:s2], [sflag:$0x2] =	stream.indirect_vreg.gather [hbm4b:s8+s3], $0x80, v2, vm0, $0xb8;
	[tilespmem:$0x10080] =	vst v63  }
0x15e: {  	_ = 	snop  }
0x15f: {  	[tilespmem:s20], [sflag:$0x2] =	stream.indirect_vreg.gather [hbm4b:s9+s3], $0x80, v2, vm0, $0xb8;
	[tilespmem:$0x10080] =	vst v63  }
0x160: {  	_ = 	snop  }
0x161: {  	[tilespmem:s22], [sflag:$0x2] =	stream.indirect_vreg.gather [hbm4b:s10+s3], $0x80, v2, vm0, $0xb8;
	[tilespmem:$0x10080] =	vst v63  }
0x162: {  	_ = 	snop  }
0x163: {  	[tilespmem:s30], [sflag:$0x2] =	stream.indirect_vreg.gather [hbm4b:s11+s3], $0x80, v2, vm0, $0xb8;
	[tilespmem:$0x10080] =	vst v63  }
0x164: {  	_ = 	snop  }
0x165: {  	[tilespmem:s31], [sflag:$0x2] =	stream.indirect_vreg.gather [hbm4b:s12+s3], $0x80, v2, vm0, $0xb8;
	[tilespmem:$0x10080] =	vst v63  }
0x166: {  	_ = 	snop  }
0x167: {  	[tilespmem:s26], [sflag:$0x2] =	stream.indirect_vreg.gather [hbm4b:s13+s3], $0x80, v2, vm0, $0xb8;
	[tilespmem:$0x10080] =	vst v63  }
0x168: {  	s24 =	simm.s32 $0xD080  }
0x169: {  	[tilespmem:s24], [sflag:$0x2] =	stream.indirect_vreg.gather [hbm4b:s14+s3], $0x80, v2, vm0, $0xb8;
	[tilespmem:$0x10080] =	vst v63  }
0x16a: {  	s26 =	simm.s32 $0xD880  }
0x16b: {  	[tilespmem:s26], [sflag:$0x2] =	stream.indirect_vreg.gather [hbm4b:s15+s3], $0x80, v2, vm0, $0xb8;
	[tilespmem:$0x10080] =	vst v63  }
0x16c: {  	s28 =	simm.s32 $0xE080  }
0x16d: {  	[tilespmem:s28], [sflag:$0x2] =	stream.indirect_vreg.gather [hbm4b:s16+s3], $0x80, v2, vm0, $0xb8;
	[tilespmem:$0x10080] =	vst v63  }
0x16e: {  	s30 =	simm.s32 $0xE880  }
0x16f: {  	[tilespmem:s30], [sflag:$0x2] =	stream.indirect_vreg.gather [hbm4b:s17+s3], $0x80, v2, vm0, $0xb8;
	[tilespmem:$0x10080] =	vst v63  }
0x170: {  	s31 =	simm.s32 $0xF080  }
0x171: {  	[tilespmem:s31], [sflag:$0x2] =	stream.indirect_vreg.gather [hbm4b:s18+s3], $0x80, v2, vm0, $0xb8;
	[tilespmem:$0x10080] =	vst v63  }
0x172: {  	s2 =	simm.s32 $0xF880  }
0x173: {  	[tilespmem:s2], [sflag:$0x2] =	stream.indirect_vreg.gather [hbm4b:s19+s3], $0x80, v2, vm0, $0xb8;
	[tilespmem:$0x10080] =	vst v63  }
0x174: {  	_ =	swait.ge [sflag:s4], $0x8000  }
0x175: {  	[sflag:s4] =	ssyncset.done $0x0  }
0x176: {  	s22 =	simm.s32 $0x80;
	s20 =	rddreg [dreg:$0xa];
	[sflag:s4] =	ssyncadd.s32 $0xFFFF8000  }
0x177: {  	[hbm4b:s20+s3] =	stream.linear.scatter [tilespmem:s22], [sflag:$0x3], $0x8000, $0x38;
	[tilespmem:$0x10080] =	vst v63  }
0x178: {  	_ =	swait.ge [sflag:s21], $0x8000  }
0x179: {  	[sflag:s21] =	ssyncset.done $0x0  }
0x17a: {  	[sflag:s21] =	ssyncadd.s32 $0xFFFF8000  }
0x17b: {  	v2 =	vld.msk [tilespmem:$0x40], $0xff;
	_ =	sdelay $0x4  }
0x17c: {  	v3 =	vshll.u32 v2, $0x5  }
0x17d: {  	v2 =	vand.u32 $0x7, v2;
	v3 =	vand.u32 $0xFFFFFF00, v3  }
0x17e: {  	v2 =	vor.u32 v2, v3  }
0x17f: {  	v2 =	vperm.xlane v2, v0;
	_ =	sdelay $0x1  }
0x180: {  	v2 =	vadd.s32 v1, v2;
	_ =	sdelay $0x4  }
0x181: {  	[tilespmem:s22], [sflag:$0x1] =	stream.indirect_vreg.gather [hbm4b:s25+s3], $0x80, v2, vm0, $0xb8;
	[tilespmem:$0x10080] =	vst v63  }
0x182: {  	_ = 	snop  }
0x183: {  	[tilespmem:s0], [sflag:$0x1] =	stream.indirect_vreg.gather [hbm4b:s5+s3], $0x80, v2, vm0, $0xb8;
	[tilespmem:$0x10080] =	vst v63  }
0x184: {  	s24 =	simm.s32 $0x1080  }
0x185: {  	[tilespmem:s24], [sflag:$0x1] =	stream.indirect_vreg.gather [hbm4b:s6+s3], $0x80, v2, vm0, $0xb8;
	[tilespmem:$0x10080] =	vst v63  }
0x186: {  	s26 =	simm.s32 $0x1880  }
0x187: {  	[tilespmem:s26], [sflag:$0x1] =	stream.indirect_vreg.gather [hbm4b:s7+s3], $0x80, v2, vm0, $0xb8;
	[tilespmem:$0x10080] =	vst v63  }
0x188: {  	s28 =	simm.s32 $0x2080  }
0x189: {  	[tilespmem:s28], [sflag:$0x1] =	stream.indirect_vreg.gather [hbm4b:s8+s3], $0x80, v2, vm0, $0xb8;
	[tilespmem:$0x10080] =	vst v63  }
0x18a: {  	s30 =	simm.s32 $0x2880  }
0x18b: {  	[tilespmem:s30], [sflag:$0x1] =	stream.indirect_vreg.gather [hbm4b:s9+s3], $0x80, v2, vm0, $0xb8;
	[tilespmem:$0x10080] =	vst v63  }
0x18c: {  	s31 =	simm.s32 $0x3080  }
0x18d: {  	[tilespmem:s31], [sflag:$0x1] =	stream.indirect_vreg.gather [hbm4b:s10+s3], $0x80, v2, vm0, $0xb8;
	[tilespmem:$0x10080] =	vst v63  }
0x18e: {  	s1 =	simm.s32 $0x3880  }
0x18f: {  	[tilespmem:s1], [sflag:$0x1] =	stream.indirect_vreg.gather [hbm4b:s11+s3], $0x80, v2, vm0, $0xb8;
	[tilespmem:$0x10080] =	vst v63  }
0x190: {  	s2 =	simm.s32 $0x4080  }
0x191: {  	[tilespmem:s2], [sflag:$0x1] =	stream.indirect_vreg.gather [hbm4b:s12+s3], $0x80, v2, vm0, $0xb8;
	[tilespmem:$0x10080] =	vst v63  }
0x192: {  	s20 =	simm.s32 $0x4880  }
0x193: {  	[tilespmem:s20], [sflag:$0x1] =	stream.indirect_vreg.gather [hbm4b:s13+s3], $0x80, v2, vm0, $0xb8;
	[tilespmem:$0x10080] =	vst v63  }
0x194: {  	s22 =	simm.s32 $0x5080  }
0x195: {  	[tilespmem:s22], [sflag:$0x1] =	stream.indirect_vreg.gather [hbm4b:s14+s3], $0x80, v2, vm0, $0xb8;
	[tilespmem:$0x10080] =	vst v63  }
0x196: {  	s24 =	simm.s32 $0x5880  }
0x197: {  	[tilespmem:s24], [sflag:$0x1] =	stream.indirect_vreg.gather [hbm4b:s15+s3], $0x80, v2, vm0, $0xb8;
	[tilespmem:$0x10080] =	vst v63  }
0x198: {  	s26 =	simm.s32 $0x6080  }
0x199: {  	[tilespmem:s26], [sflag:$0x1] =	stream.indirect_vreg.gather [hbm4b:s16+s3], $0x80, v2, vm0, $0xb8;
	[tilespmem:$0x10080] =	vst v63  }
0x19a: {  	s28 =	simm.s32 $0x6880  }
0x19b: {  	[tilespmem:s28], [sflag:$0x1] =	stream.indirect_vreg.gather [hbm4b:s17+s3], $0x80, v2, vm0, $0xb8;
	[tilespmem:$0x10080] =	vst v63  }
0x19c: {  	s30 =	simm.s32 $0x7080  }
0x19d: {  	[tilespmem:s30], [sflag:$0x1] =	stream.indirect_vreg.gather [hbm4b:s18+s3], $0x80, v2, vm0, $0xb8;
	[tilespmem:$0x10080] =	vst v63  }
0x19e: {  	s31 =	simm.s32 $0x7880  }
0x19f: {  	[tilespmem:s31], [sflag:$0x1] =	stream.indirect_vreg.gather [hbm4b:s19+s3], $0x80, v2, vm0, $0xb8;
	[tilespmem:$0x10080] =	vst v63  }
0x1a0: {  	_ =	swait.ge [sflag:s23], $0x8000  }
0x1a1: {  	[sflag:s23] =	ssyncset.done $0x0  }
0x1a2: {  	s0 =	rddreg [dreg:$0xb];
	[sflag:s23] =	ssyncadd.s32 $0xFFFF8000  }
0x1a3: {  	[hbm4b:s0+s3] =	stream.linear.scatter [tilespmem:s29], [sflag:$0x3], $0x8000, $0x38;
	[tilespmem:$0x10080] =	vst v63  }
0x1a4: {  	_ =	swait.ge [sflag:s21], $0x8000  }
0x1a5: {  	[sflag:s21] =	ssyncset.done $0x0  }
0x1a6: {  	[sflag:s21] =	ssyncadd.s32 $0xFFFF8000  }
0x1a7: {  	v2 =	vld.msk [tilespmem:$0x48], $0xff;
	_ =	sdelay $0x4  }
0x1a8: {  	v3 =	vshll.u32 v2, $0x5  }
0x1a9: {  	v2 =	vand.u32 $0x7, v2;
	v3 =	vand.u32 $0xFFFFFF00, v3  }
0x1aa: {  	v2 =	vor.u32 v2, v3  }
0x1ab: {  	v2 =	vperm.xlane v2, v0;
	_ =	sdelay $0x1  }
0x1ac: {  	v2 =	vadd.s32 v1, v2;
	_ =	sdelay $0x4  }
0x1ad: {  	[tilespmem:s29], [sflag:$0x2] =	stream.indirect_vreg.gather [hbm4b:s25+s3], $0x80, v2, vm0, $0xb8;
	[tilespmem:$0x10080] =	vst v63  }
0x1ae: {  	s2 =	simm.s32 $0x8880  }
0x1af: {  	[tilespmem:s2], [sflag:$0x2] =	stream.indirect_vreg.gather [hbm4b:s5+s3], $0x80, v2, vm0, $0xb8;
	[tilespmem:$0x10080] =	vst v63  }
0x1b0: {  	s20 =	simm.s32 $0x9080  }
0x1b1: {  	[tilespmem:s20], [sflag:$0x2] =	stream.indirect_vreg.gather [hbm4b:s6+s3], $0x80, v2, vm0, $0xb8;
	[tilespmem:$0x10080] =	vst v63  }
0x1b2: {  	s22 =	simm.s32 $0x9880  }
0x1b3: {  	[tilespmem:s22], [sflag:$0x2] =	stream.indirect_vreg.gather [hbm4b:s7+s3], $0x80, v2, vm0, $0xb8;
	[tilespmem:$0x10080] =	vst v63  }
0x1b4: {  	s26 =	simm.s32 $0xA080  }
0x1b5: {  	[tilespmem:s26], [sflag:$0x2] =	stream.indirect_vreg.gather [hbm4b:s8+s3], $0x80, v2, vm0, $0xb8;
	[tilespmem:$0x10080] =	vst v63  }
0x1b6: {  	s28 =	simm.s32 $0xA880  }
0x1b7: {  	[tilespmem:s28], [sflag:$0x2] =	stream.indirect_vreg.gather [hbm4b:s9+s3], $0x80, v2, vm0, $0xb8;
	[tilespmem:$0x10080] =	vst v63  }
0x1b8: {  	s30 =	simm.s32 $0xB080  }
0x1b9: {  	[tilespmem:s30], [sflag:$0x2] =	stream.indirect_vreg.gather [hbm4b:s10+s3], $0x80, v2, vm0, $0xb8;
	[tilespmem:$0x10080] =	vst v63  }
0x1ba: {  	s31 =	simm.s32 $0xB880  }
0x1bb: {  	[tilespmem:s31], [sflag:$0x2] =	stream.indirect_vreg.gather [hbm4b:s11+s3], $0x80, v2, vm0, $0xb8;
	[tilespmem:$0x10080] =	vst v63  }
0x1bc: {  	s1 =	simm.s32 $0xC080  }
0x1bd: {  	[tilespmem:s1], [sflag:$0x2] =	stream.indirect_vreg.gather [hbm4b:s12+s3], $0x80, v2, vm0, $0xb8;
	[tilespmem:$0x10080] =	vst v63  }
0x1be: {  	s1 =	simm.s32 $0xC880  }
0x1bf: {  	[tilespmem:s1], [sflag:$0x2] =	stream.indirect_vreg.gather [hbm4b:s13+s3], $0x80, v2, vm0, $0xb8;
	[tilespmem:$0x10080] =	vst v63  }
0x1c0: {  	s24 =	simm.s32 $0xD080  }
0x1c1: {  	[tilespmem:s24], [sflag:$0x2] =	stream.indirect_vreg.gather [hbm4b:s14+s3], $0x80, v2, vm0, $0xb8;
	[tilespmem:$0x10080] =	vst v63  }
0x1c2: {  	s24 =	simm.s32 $0xD880  }
0x1c3: {  	[tilespmem:s24], [sflag:$0x2] =	stream.indirect_vreg.gather [hbm4b:s15+s3], $0x80, v2, vm0, $0xb8;
	[tilespmem:$0x10080] =	vst v63  }
0x1c4: {  	s24 =	simm.s32 $0xE080  }
0x1c5: {  	[tilespmem:s24], [sflag:$0x2] =	stream.indirect_vreg.gather [hbm4b:s16+s3], $0x80, v2, vm0, $0xb8;
	[tilespmem:$0x10080] =	vst v63  }
0x1c6: {  	s24 =	simm.s32 $0xE880  }
0x1c7: {  	[tilespmem:s24], [sflag:$0x2] =	stream.indirect_vreg.gather [hbm4b:s17+s3], $0x80, v2, vm0, $0xb8;
	[tilespmem:$0x10080] =	vst v63  }
0x1c8: {  	s24 =	simm.s32 $0xF080  }
0x1c9: {  	[tilespmem:s24], [sflag:$0x2] =	stream.indirect_vreg.gather [hbm4b:s18+s3], $0x80, v2, vm0, $0xb8;
	[tilespmem:$0x10080] =	vst v63  }
0x1ca: {  	s24 =	simm.s32 $0xF880  }
0x1cb: {  	[tilespmem:s24], [sflag:$0x2] =	stream.indirect_vreg.gather [hbm4b:s19+s3], $0x80, v2, vm0, $0xb8;
	[tilespmem:$0x10080] =	vst v63  }
0x1cc: {  	_ =	swait.ge [sflag:s4], $0x8000  }
0x1cd: {  	[sflag:s4] =	ssyncset.done $0x0  }
0x1ce: {  	s0 =	simm.s32 $0x80;
	s24 =	rddreg [dreg:$0xc];
	[sflag:s4] =	ssyncadd.s32 $0xFFFF8000  }
0x1cf: {  	[hbm4b:s24+s3] =	stream.linear.scatter [tilespmem:s0], [sflag:$0x3], $0x8000, $0x38;
	[tilespmem:$0x10080] =	vst v63  }
0x1d0: {  	_ =	swait.ge [sflag:s21], $0x8000  }
0x1d1: {  	[sflag:s21] =	ssyncset.done $0x0  }
0x1d2: {  	[sflag:s21] =	ssyncadd.s32 $0xFFFF8000  }
0x1d3: {  	v2 =	vld.msk [tilespmem:$0x50], $0xff;
	_ =	sdelay $0x4  }
0x1d4: {  	v3 =	vshll.u32 v2, $0x5  }
0x1d5: {  	v2 =	vand.u32 $0x7, v2;
	v3 =	vand.u32 $0xFFFFFF00, v3  }
0x1d6: {  	v2 =	vor.u32 v2, v3  }
0x1d7: {  	v2 =	vperm.xlane v2, v0;
	_ =	sdelay $0x1  }
0x1d8: {  	v2 =	vadd.s32 v1, v2;
	_ =	sdelay $0x4  }
0x1d9: {  	[tilespmem:s0], [sflag:$0x1] =	stream.indirect_vreg.gather [hbm4b:s25+s3], $0x80, v2, vm0, $0xb8;
	[tilespmem:$0x10080] =	vst v63  }
0x1da: {  	s0 =	simm.s32 $0x880  }
0x1db: {  	[tilespmem:s0], [sflag:$0x1] =	stream.indirect_vreg.gather [hbm4b:s5+s3], $0x80, v2, vm0, $0xb8;
	[tilespmem:$0x10080] =	vst v63  }
0x1dc: {  	s24 =	simm.s32 $0x1080  }
0x1dd: {  	[tilespmem:s24], [sflag:$0x1] =	stream.indirect_vreg.gather [hbm4b:s6+s3], $0x80, v2, vm0, $0xb8;
	[tilespmem:$0x10080] =	vst v63  }
0x1de: {  	s24 =	simm.s32 $0x1880  }
0x1df: {  	[tilespmem:s24], [sflag:$0x1] =	stream.indirect_vreg.gather [hbm4b:s7+s3], $0x80, v2, vm0, $0xb8;
	[tilespmem:$0x10080] =	vst v63  }
0x1e0: {  	s24 =	simm.s32 $0x2080  }
0x1e1: {  	[tilespmem:s24], [sflag:$0x1] =	stream.indirect_vreg.gather [hbm4b:s8+s3], $0x80, v2, vm0, $0xb8;
	[tilespmem:$0x10080] =	vst v63  }
0x1e2: {  	s24 =	simm.s32 $0x2880  }
0x1e3: {  	[tilespmem:s24], [sflag:$0x1] =	stream.indirect_vreg.gather [hbm4b:s9+s3], $0x80, v2, vm0, $0xb8;
	[tilespmem:$0x10080] =	vst v63  }
0x1e4: {  	s24 =	simm.s32 $0x3080  }
0x1e5: {  	[tilespmem:s24], [sflag:$0x1] =	stream.indirect_vreg.gather [hbm4b:s10+s3], $0x80, v2, vm0, $0xb8;
	[tilespmem:$0x10080] =	vst v63  }
0x1e6: {  	s24 =	simm.s32 $0x3880  }
0x1e7: {  	[tilespmem:s24], [sflag:$0x1] =	stream.indirect_vreg.gather [hbm4b:s11+s3], $0x80, v2, vm0, $0xb8;
	[tilespmem:$0x10080] =	vst v63  }
0x1e8: {  	s24 =	simm.s32 $0x4080  }
0x1e9: {  	[tilespmem:s24], [sflag:$0x1] =	stream.indirect_vreg.gather [hbm4b:s12+s3], $0x80, v2, vm0, $0xb8;
	[tilespmem:$0x10080] =	vst v63  }
0x1ea: {  	s24 =	simm.s32 $0x4880  }
0x1eb: {  	[tilespmem:s24], [sflag:$0x1] =	stream.indirect_vreg.gather [hbm4b:s13+s3], $0x80, v2, vm0, $0xb8;
	[tilespmem:$0x10080] =	vst v63  }
0x1ec: {  	s24 =	simm.s32 $0x5080  }
0x1ed: {  	[tilespmem:s24], [sflag:$0x1] =	stream.indirect_vreg.gather [hbm4b:s14+s3], $0x80, v2, vm0, $0xb8;
	[tilespmem:$0x10080] =	vst v63  }
0x1ee: {  	s24 =	simm.s32 $0x5880  }
0x1ef: {  	[tilespmem:s24], [sflag:$0x1] =	stream.indirect_vreg.gather [hbm4b:s15+s3], $0x80, v2, vm0, $0xb8;
	[tilespmem:$0x10080] =	vst v63  }
0x1f0: {  	s24 =	simm.s32 $0x6080  }
0x1f1: {  	[tilespmem:s24], [sflag:$0x1] =	stream.indirect_vreg.gather [hbm4b:s16+s3], $0x80, v2, vm0, $0xb8;
	[tilespmem:$0x10080] =	vst v63  }
0x1f2: {  	s24 =	simm.s32 $0x6880  }
0x1f3: {  	[tilespmem:s24], [sflag:$0x1] =	stream.indirect_vreg.gather [hbm4b:s17+s3], $0x80, v2, vm0, $0xb8;
	[tilespmem:$0x10080] =	vst v63  }
0x1f4: {  	s24 =	simm.s32 $0x7080  }
0x1f5: {  	[tilespmem:s24], [sflag:$0x1] =	stream.indirect_vreg.gather [hbm4b:s18+s3], $0x80, v2, vm0, $0xb8;
	[tilespmem:$0x10080] =	vst v63  }
0x1f6: {  	s24 =	simm.s32 $0x7880  }
0x1f7: {  	[tilespmem:s24], [sflag:$0x1] =	stream.indirect_vreg.gather [hbm4b:s19+s3], $0x80, v2, vm0, $0xb8;
	[tilespmem:$0x10080] =	vst v63  }
0x1f8: {  	_ =	swait.ge [sflag:s23], $0x8000  }
0x1f9: {  	[sflag:s23] =	ssyncset.done $0x0  }
0x1fa: {  	s24 =	rddreg [dreg:$0xd];
	[sflag:s23] =	ssyncadd.s32 $0xFFFF8000  }
0x1fb: {  	[hbm4b:s24+s3] =	stream.linear.scatter [tilespmem:s29], [sflag:$0x3], $0x8000, $0x38;
	[tilespmem:$0x10080] =	vst v63  }
0x1fc: {  	_ =	swait.ge [sflag:s21], $0x8000  }
0x1fd: {  	[sflag:s21] =	ssyncset.done $0x0  }
0x1fe: {  	[sflag:s21] =	ssyncadd.s32 $0xFFFF8000  }
0x1ff: {  	v2 =	vld.msk [tilespmem:$0x58], $0xff;
	_ =	sdelay $0x4  }
0x200: {  	v3 =	vshll.u32 v2, $0x5  }
0x201: {  	v2 =	vand.u32 $0x7, v2;
	v3 =	vand.u32 $0xFFFFFF00, v3  }
0x202: {  	v2 =	vor.u32 v2, v3  }
0x203: {  	v2 =	vperm.xlane v2, v0;
	_ =	sdelay $0x1  }
0x204: {  	v2 =	vadd.s32 v1, v2;
	_ =	sdelay $0x4  }
0x205: {  	[tilespmem:s29], [sflag:$0x2] =	stream.indirect_vreg.gather [hbm4b:s25+s3], $0x80, v2, vm0, $0xb8;
	[tilespmem:$0x10080] =	vst v63  }
0x206: {  	_ = 	snop  }
0x207: {  	[tilespmem:s2], [sflag:$0x2] =	stream.indirect_vreg.gather [hbm4b:s5+s3], $0x80, v2, vm0, $0xb8;
	[tilespmem:$0x10080] =	vst v63  }
0x208: {  	_ = 	snop  }
0x209: {  	[tilespmem:s20], [sflag:$0x2] =	stream.indirect_vreg.gather [hbm4b:s6+s3], $0x80, v2, vm0, $0xb8;
	[tilespmem:$0x10080] =	vst v63  }
0x20a: {  	_ = 	snop  }
0x20b: {  	[tilespmem:s22], [sflag:$0x2] =	stream.indirect_vreg.gather [hbm4b:s7+s3], $0x80, v2, vm0, $0xb8;
	[tilespmem:$0x10080] =	vst v63  }
0x20c: {  	_ = 	snop  }
0x20d: {  	[tilespmem:s26], [sflag:$0x2] =	stream.indirect_vreg.gather [hbm4b:s8+s3], $0x80, v2, vm0, $0xb8;
	[tilespmem:$0x10080] =	vst v63  }
0x20e: {  	_ = 	snop  }
0x20f: {  	[tilespmem:s28], [sflag:$0x2] =	stream.indirect_vreg.gather [hbm4b:s9+s3], $0x80, v2, vm0, $0xb8;
	[tilespmem:$0x10080] =	vst v63  }
0x210: {  	_ = 	snop  }
0x211: {  	[tilespmem:s30], [sflag:$0x2] =	stream.indirect_vreg.gather [hbm4b:s10+s3], $0x80, v2, vm0, $0xb8;
	[tilespmem:$0x10080] =	vst v63  }
0x212: {  	_ = 	snop  }
0x213: {  	[tilespmem:s31], [sflag:$0x2] =	stream.indirect_vreg.gather [hbm4b:s11+s3], $0x80, v2, vm0, $0xb8;
	[tilespmem:$0x10080] =	vst v63  }
0x214: {  	s30 =	simm.s32 $0xC080  }
0x215: {  	[tilespmem:s30], [sflag:$0x2] =	stream.indirect_vreg.gather [hbm4b:s12+s3], $0x80, v2, vm0, $0xb8;
	[tilespmem:$0x10080] =	vst v63  }
0x216: {  	_ = 	snop  }
0x217: {  	[tilespmem:s1], [sflag:$0x2] =	stream.indirect_vreg.gather [hbm4b:s13+s3], $0x80, v2, vm0, $0xb8;
	[tilespmem:$0x10080] =	vst v63  }
0x218: {  	s31 =	simm.s32 $0xD080  }
0x219: {  	[tilespmem:s31], [sflag:$0x2] =	stream.indirect_vreg.gather [hbm4b:s14+s3], $0x80, v2, vm0, $0xb8;
	[tilespmem:$0x10080] =	vst v63  }
0x21a: {  	s2 =	simm.s32 $0xD880  }
0x21b: {  	[tilespmem:s2], [sflag:$0x2] =	stream.indirect_vreg.gather [hbm4b:s15+s3], $0x80, v2, vm0, $0xb8;
	[tilespmem:$0x10080] =	vst v63  }
0x21c: {  	s20 =	simm.s32 $0xE080  }
0x21d: {  	[tilespmem:s20], [sflag:$0x2] =	stream.indirect_vreg.gather [hbm4b:s16+s3], $0x80, v2, vm0, $0xb8;
	[tilespmem:$0x10080] =	vst v63  }
0x21e: {  	s22 =	simm.s32 $0xE880  }
0x21f: {  	[tilespmem:s22], [sflag:$0x2] =	stream.indirect_vreg.gather [hbm4b:s17+s3], $0x80, v2, vm0, $0xb8;
	[tilespmem:$0x10080] =	vst v63  }
0x220: {  	s24 =	simm.s32 $0xF080  }
0x221: {  	[tilespmem:s24], [sflag:$0x2] =	stream.indirect_vreg.gather [hbm4b:s18+s3], $0x80, v2, vm0, $0xb8;
	[tilespmem:$0x10080] =	vst v63  }
0x222: {  	s26 =	simm.s32 $0xF880  }
0x223: {  	[tilespmem:s26], [sflag:$0x2] =	stream.indirect_vreg.gather [hbm4b:s19+s3], $0x80, v2, vm0, $0xb8;
	[tilespmem:$0x10080] =	vst v63  }
0x224: {  	_ =	swait.ge [sflag:s4], $0x8000  }
0x225: {  	[sflag:s4] =	ssyncset.done $0x0  }
0x226: {  	s30 =	simm.s32 $0x80;
	s28 =	rddreg [dreg:$0xe];
	[sflag:s4] =	ssyncadd.s32 $0xFFFF8000  }
0x227: {  	[hbm4b:s28+s3] =	stream.linear.scatter [tilespmem:s30], [sflag:$0x3], $0x8000, $0x38;
	[tilespmem:$0x10080] =	vst v63  }
0x228: {  	_ =	swait.ge [sflag:s21], $0x8000  }
0x229: {  	[sflag:s21] =	ssyncset.done $0x0  }
0x22a: {  	[sflag:s21] =	ssyncadd.s32 $0xFFFF8000  }
0x22b: {  	v2 =	vld.msk [tilespmem:$0x60], $0xff;
	_ =	sdelay $0x4  }
0x22c: {  	v3 =	vshll.u32 v2, $0x5  }
0x22d: {  	v2 =	vand.u32 $0x7, v2;
	v3 =	vand.u32 $0xFFFFFF00, v3  }
0x22e: {  	v2 =	vor.u32 v2, v3  }
0x22f: {  	v2 =	vperm.xlane v2, v0;
	_ =	sdelay $0x1  }
0x230: {  	v2 =	vadd.s32 v1, v2;
	_ =	sdelay $0x4  }
0x231: {  	[tilespmem:s30], [sflag:$0x1] =	stream.indirect_vreg.gather [hbm4b:s25+s3], $0x80, v2, vm0, $0xb8;
	[tilespmem:$0x10080] =	vst v63  }
0x232: {  	_ = 	snop  }
0x233: {  	[tilespmem:s0], [sflag:$0x1] =	stream.indirect_vreg.gather [hbm4b:s5+s3], $0x80, v2, vm0, $0xb8;
	[tilespmem:$0x10080] =	vst v63  }
0x234: {  	s31 =	simm.s32 $0x1080  }
0x235: {  	[tilespmem:s31], [sflag:$0x1] =	stream.indirect_vreg.gather [hbm4b:s6+s3], $0x80, v2, vm0, $0xb8;
	[tilespmem:$0x10080] =	vst v63  }
0x236: {  	s2 =	simm.s32 $0x1880  }
0x237: {  	[tilespmem:s2], [sflag:$0x1] =	stream.indirect_vreg.gather [hbm4b:s7+s3], $0x80, v2, vm0, $0xb8;
	[tilespmem:$0x10080] =	vst v63  }
0x238: {  	s20 =	simm.s32 $0x2080  }
0x239: {  	[tilespmem:s20], [sflag:$0x1] =	stream.indirect_vreg.gather [hbm4b:s8+s3], $0x80, v2, vm0, $0xb8;
	[tilespmem:$0x10080] =	vst v63  }
0x23a: {  	s22 =	simm.s32 $0x2880  }
0x23b: {  	[tilespmem:s22], [sflag:$0x1] =	stream.indirect_vreg.gather [hbm4b:s9+s3], $0x80, v2, vm0, $0xb8;
	[tilespmem:$0x10080] =	vst v63  }
0x23c: {  	s26 =	simm.s32 $0x3080  }
0x23d: {  	[tilespmem:s26], [sflag:$0x1] =	stream.indirect_vreg.gather [hbm4b:s10+s3], $0x80, v2, vm0, $0xb8;
	[tilespmem:$0x10080] =	vst v63  }
0x23e: {  	s28 =	simm.s32 $0x3880  }
0x23f: {  	[tilespmem:s28], [sflag:$0x1] =	stream.indirect_vreg.gather [hbm4b:s11+s3], $0x80, v2, vm0, $0xb8;
	[tilespmem:$0x10080] =	vst v63  }
0x240: {  	s30 =	simm.s32 $0x4080  }
0x241: {  	[tilespmem:s30], [sflag:$0x1] =	stream.indirect_vreg.gather [hbm4b:s12+s3], $0x80, v2, vm0, $0xb8;
	[tilespmem:$0x10080] =	vst v63  }
0x242: {  	s31 =	simm.s32 $0x4880  }
0x243: {  	[tilespmem:s31], [sflag:$0x1] =	stream.indirect_vreg.gather [hbm4b:s13+s3], $0x80, v2, vm0, $0xb8;
	[tilespmem:$0x10080] =	vst v63  }
0x244: {  	s24 =	simm.s32 $0x5080  }
0x245: {  	[tilespmem:s24], [sflag:$0x1] =	stream.indirect_vreg.gather [hbm4b:s14+s3], $0x80, v2, vm0, $0xb8;
	[tilespmem:$0x10080] =	vst v63  }
0x246: {  	s24 =	simm.s32 $0x5880  }
0x247: {  	[tilespmem:s24], [sflag:$0x1] =	stream.indirect_vreg.gather [hbm4b:s15+s3], $0x80, v2, vm0, $0xb8;
	[tilespmem:$0x10080] =	vst v63  }
0x248: {  	s24 =	simm.s32 $0x6080  }
0x249: {  	[tilespmem:s24], [sflag:$0x1] =	stream.indirect_vreg.gather [hbm4b:s16+s3], $0x80, v2, vm0, $0xb8;
	[tilespmem:$0x10080] =	vst v63  }
0x24a: {  	s24 =	simm.s32 $0x6880  }
0x24b: {  	[tilespmem:s24], [sflag:$0x1] =	stream.indirect_vreg.gather [hbm4b:s17+s3], $0x80, v2, vm0, $0xb8;
	[tilespmem:$0x10080] =	vst v63  }
0x24c: {  	s24 =	simm.s32 $0x7080  }
0x24d: {  	[tilespmem:s24], [sflag:$0x1] =	stream.indirect_vreg.gather [hbm4b:s18+s3], $0x80, v2, vm0, $0xb8;
	[tilespmem:$0x10080] =	vst v63  }
0x24e: {  	s24 =	simm.s32 $0x7880  }
0x24f: {  	[tilespmem:s24], [sflag:$0x1] =	stream.indirect_vreg.gather [hbm4b:s19+s3], $0x80, v2, vm0, $0xb8;
	[tilespmem:$0x10080] =	vst v63  }
0x250: {  	_ =	swait.ge [sflag:s23], $0x8000  }
0x251: {  	[sflag:s23] =	ssyncset.done $0x0  }
0x252: {  	s24 =	rddreg [dreg:$0xf];
	[sflag:s23] =	ssyncadd.s32 $0xFFFF8000  }
0x253: {  	[hbm4b:s24+s3] =	stream.linear.scatter [tilespmem:s29], [sflag:$0x3], $0x8000, $0x38;
	[tilespmem:$0x10080] =	vst v63  }
0x254: {  	_ =	swait.ge [sflag:s21], $0x8000  }
0x255: {  	[sflag:s21] =	ssyncset.done $0x0  }
0x256: {  	[sflag:s21] =	ssyncadd.s32 $0xFFFF8000  }
0x257: {  	v2 =	vld.msk [tilespmem:$0x68], $0xff;
	_ =	sdelay $0x4  }
0x258: {  	v3 =	vshll.u32 v2, $0x5  }
0x259: {  	v2 =	vand.u32 $0x7, v2;
	v3 =	vand.u32 $0xFFFFFF00, v3  }
0x25a: {  	v2 =	vor.u32 v2, v3  }
0x25b: {  	v2 =	vperm.xlane v2, v0;
	_ =	sdelay $0x1  }
0x25c: {  	v2 =	vadd.s32 v1, v2;
	_ =	sdelay $0x4  }
0x25d: {  	[tilespmem:s29], [sflag:$0x2] =	stream.indirect_vreg.gather [hbm4b:s25+s3], $0x80, v2, vm0, $0xb8;
	[tilespmem:$0x10080] =	vst v63  }
0x25e: {  	s24 =	simm.s32 $0x8880  }
0x25f: {  	[tilespmem:s24], [sflag:$0x2] =	stream.indirect_vreg.gather [hbm4b:s5+s3], $0x80, v2, vm0, $0xb8;
	[tilespmem:$0x10080] =	vst v63  }
0x260: {  	s24 =	simm.s32 $0x9080  }
0x261: {  	[tilespmem:s24], [sflag:$0x2] =	stream.indirect_vreg.gather [hbm4b:s6+s3], $0x80, v2, vm0, $0xb8;
	[tilespmem:$0x10080] =	vst v63  }
0x262: {  	s24 =	simm.s32 $0x9880  }
0x263: {  	[tilespmem:s24], [sflag:$0x2] =	stream.indirect_vreg.gather [hbm4b:s7+s3], $0x80, v2, vm0, $0xb8;
	[tilespmem:$0x10080] =	vst v63  }
0x264: {  	s24 =	simm.s32 $0xA080  }
0x265: {  	[tilespmem:s24], [sflag:$0x2] =	stream.indirect_vreg.gather [hbm4b:s8+s3], $0x80, v2, vm0, $0xb8;
	[tilespmem:$0x10080] =	vst v63  }
0x266: {  	s24 =	simm.s32 $0xA880  }
0x267: {  	[tilespmem:s24], [sflag:$0x2] =	stream.indirect_vreg.gather [hbm4b:s9+s3], $0x80, v2, vm0, $0xb8;
	[tilespmem:$0x10080] =	vst v63  }
0x268: {  	s24 =	simm.s32 $0xB080  }
0x269: {  	[tilespmem:s24], [sflag:$0x2] =	stream.indirect_vreg.gather [hbm4b:s10+s3], $0x80, v2, vm0, $0xb8;
	[tilespmem:$0x10080] =	vst v63  }
0x26a: {  	s24 =	simm.s32 $0xB880  }
0x26b: {  	[tilespmem:s24], [sflag:$0x2] =	stream.indirect_vreg.gather [hbm4b:s11+s3], $0x80, v2, vm0, $0xb8;
	[tilespmem:$0x10080] =	vst v63  }
0x26c: {  	s24 =	simm.s32 $0xC080  }
0x26d: {  	[tilespmem:s24], [sflag:$0x2] =	stream.indirect_vreg.gather [hbm4b:s12+s3], $0x80, v2, vm0, $0xb8;
	[tilespmem:$0x10080] =	vst v63  }
0x26e: {  	s24 =	simm.s32 $0xC880  }
0x26f: {  	[tilespmem:s24], [sflag:$0x2] =	stream.indirect_vreg.gather [hbm4b:s13+s3], $0x80, v2, vm0, $0xb8;
	[tilespmem:$0x10080] =	vst v63  }
0x270: {  	s24 =	simm.s32 $0xD080  }
0x271: {  	[tilespmem:s24], [sflag:$0x2] =	stream.indirect_vreg.gather [hbm4b:s14+s3], $0x80, v2, vm0, $0xb8;
	[tilespmem:$0x10080] =	vst v63  }
0x272: {  	s24 =	simm.s32 $0xD880  }
0x273: {  	[tilespmem:s24], [sflag:$0x2] =	stream.indirect_vreg.gather [hbm4b:s15+s3], $0x80, v2, vm0, $0xb8;
	[tilespmem:$0x10080] =	vst v63  }
0x274: {  	s24 =	simm.s32 $0xE080  }
0x275: {  	[tilespmem:s24], [sflag:$0x2] =	stream.indirect_vreg.gather [hbm4b:s16+s3], $0x80, v2, vm0, $0xb8;
	[tilespmem:$0x10080] =	vst v63  }
0x276: {  	s24 =	simm.s32 $0xE880  }
0x277: {  	[tilespmem:s24], [sflag:$0x2] =	stream.indirect_vreg.gather [hbm4b:s17+s3], $0x80, v2, vm0, $0xb8;
	[tilespmem:$0x10080] =	vst v63  }
0x278: {  	s24 =	simm.s32 $0xF080  }
0x279: {  	[tilespmem:s24], [sflag:$0x2] =	stream.indirect_vreg.gather [hbm4b:s18+s3], $0x80, v2, vm0, $0xb8;
	[tilespmem:$0x10080] =	vst v63  }
0x27a: {  	s24 =	simm.s32 $0xF880  }
0x27b: {  	[tilespmem:s24], [sflag:$0x2] =	stream.indirect_vreg.gather [hbm4b:s19+s3], $0x80, v2, vm0, $0xb8;
	[tilespmem:$0x10080] =	vst v63  }
0x27c: {  	_ =	swait.ge [sflag:s4], $0x8000  }
0x27d: {  	[sflag:s4] =	ssyncset.done $0x0  }
0x27e: {  	s1 =	simm.s32 $0x80;
	s24 =	rddreg [dreg:$0x10];
	[sflag:s4] =	ssyncadd.s32 $0xFFFF8000  }
0x27f: {  	[hbm4b:s24+s3] =	stream.linear.scatter [tilespmem:s1], [sflag:$0x3], $0x8000, $0x38;
	[tilespmem:$0x10080] =	vst v63  }
0x280: {  	_ =	swait.ge [sflag:s21], $0x8000  }
0x281: {  	[sflag:s21] =	ssyncset.done $0x0  }
0x282: {  	[sflag:s21] =	ssyncadd.s32 $0xFFFF8000  }
0x283: {  	v2 =	vld.msk [tilespmem:$0x70], $0xff;
	_ =	sdelay $0x4  }
0x284: {  	v3 =	vshll.u32 v2, $0x5  }
0x285: {  	v2 =	vand.u32 $0x7, v2;
	v3 =	vand.u32 $0xFFFFFF00, v3  }
0x286: {  	v2 =	vor.u32 v2, v3  }
0x287: {  	v2 =	vperm.xlane v2, v0;
	_ =	sdelay $0x1  }
0x288: {  	v2 =	vadd.s32 v1, v2;
	_ =	sdelay $0x4  }
0x289: {  	[tilespmem:s1], [sflag:$0x1] =	stream.indirect_vreg.gather [hbm4b:s25+s3], $0x80, v2, vm0, $0xb8;
	[tilespmem:$0x10080] =	vst v63  }
0x28a: {  	s0 =	simm.s32 $0x880  }
0x28b: {  	[tilespmem:s0], [sflag:$0x1] =	stream.indirect_vreg.gather [hbm4b:s5+s3], $0x80, v2, vm0, $0xb8;
	[tilespmem:$0x10080] =	vst v63  }
0x28c: {  	s24 =	simm.s32 $0x1080  }
0x28d: {  	[tilespmem:s24], [sflag:$0x1] =	stream.indirect_vreg.gather [hbm4b:s6+s3], $0x80, v2, vm0, $0xb8;
	[tilespmem:$0x10080] =	vst v63  }
0x28e: {  	s2 =	simm.s32 $0x1880  }
0x28f: {  	[tilespmem:s2], [sflag:$0x1] =	stream.indirect_vreg.gather [hbm4b:s7+s3], $0x80, v2, vm0, $0xb8;
	[tilespmem:$0x10080] =	vst v63  }
0x290: {  	s20 =	simm.s32 $0x2080  }
0x291: {  	[tilespmem:s20], [sflag:$0x1] =	stream.indirect_vreg.gather [hbm4b:s8+s3], $0x80, v2, vm0, $0xb8;
	[tilespmem:$0x10080] =	vst v63  }
0x292: {  	s22 =	simm.s32 $0x2880  }
0x293: {  	[tilespmem:s22], [sflag:$0x1] =	stream.indirect_vreg.gather [hbm4b:s9+s3], $0x80, v2, vm0, $0xb8;
	[tilespmem:$0x10080] =	vst v63  }
0x294: {  	s26 =	simm.s32 $0x3080  }
0x295: {  	[tilespmem:s26], [sflag:$0x1] =	stream.indirect_vreg.gather [hbm4b:s10+s3], $0x80, v2, vm0, $0xb8;
	[tilespmem:$0x10080] =	vst v63  }
0x296: {  	s28 =	simm.s32 $0x3880  }
0x297: {  	[tilespmem:s28], [sflag:$0x1] =	stream.indirect_vreg.gather [hbm4b:s11+s3], $0x80, v2, vm0, $0xb8;
	[tilespmem:$0x10080] =	vst v63  }
0x298: {  	s30 =	simm.s32 $0x4080  }
0x299: {  	[tilespmem:s30], [sflag:$0x1] =	stream.indirect_vreg.gather [hbm4b:s12+s3], $0x80, v2, vm0, $0xb8;
	[tilespmem:$0x10080] =	vst v63  }
0x29a: {  	s31 =	simm.s32 $0x4880  }
0x29b: {  	[tilespmem:s31], [sflag:$0x1] =	stream.indirect_vreg.gather [hbm4b:s13+s3], $0x80, v2, vm0, $0xb8;
	[tilespmem:$0x10080] =	vst v63  }
0x29c: {  	s31 =	simm.s32 $0x5080  }
0x29d: {  	[tilespmem:s31], [sflag:$0x1] =	stream.indirect_vreg.gather [hbm4b:s14+s3], $0x80, v2, vm0, $0xb8;
	[tilespmem:$0x10080] =	vst v63  }
0x29e: {  	s20 =	simm.s32 $0x5880  }
0x29f: {  	[tilespmem:s20], [sflag:$0x1] =	stream.indirect_vreg.gather [hbm4b:s15+s3], $0x80, v2, vm0, $0xb8;
	[tilespmem:$0x10080] =	vst v63  }
0x2a0: {  	s22 =	simm.s32 $0x6080  }
0x2a1: {  	[tilespmem:s22], [sflag:$0x1] =	stream.indirect_vreg.gather [hbm4b:s16+s3], $0x80, v2, vm0, $0xb8;
	[tilespmem:$0x10080] =	vst v63  }
0x2a2: {  	s24 =	simm.s32 $0x6880  }
0x2a3: {  	[tilespmem:s24], [sflag:$0x1] =	stream.indirect_vreg.gather [hbm4b:s17+s3], $0x80, v2, vm0, $0xb8;
	[tilespmem:$0x10080] =	vst v63  }
0x2a4: {  	s26 =	simm.s32 $0x7080  }
0x2a5: {  	[tilespmem:s26], [sflag:$0x1] =	stream.indirect_vreg.gather [hbm4b:s18+s3], $0x80, v2, vm0, $0xb8;
	[tilespmem:$0x10080] =	vst v63  }
0x2a6: {  	s28 =	simm.s32 $0x7880  }
0x2a7: {  	[tilespmem:s28], [sflag:$0x1] =	stream.indirect_vreg.gather [hbm4b:s19+s3], $0x80, v2, vm0, $0xb8;
	[tilespmem:$0x10080] =	vst v63  }
0x2a8: {  	s0 =	rddreg [dreg:$0x15];
	_ =	swait.ge [sflag:s23], $0x8000  }
0x2a9: {  	[sflag:s23] =	ssyncset.done $0x0  }
0x2aa: {  	s30 =	rddreg [dreg:$0x11];
	[sflag:s23] =	ssyncadd.s32 $0xFFFF8000  }
0x2ab: {  	[hbm4b:s30+s3] =	stream.linear.scatter [tilespmem:s29], [sflag:$0x3], $0x8000, $0x38;
	[tilespmem:$0x10080] =	vst v63  }
0x2ac: {  	_ =	swait.ge [sflag:s21], $0x8000  }
0x2ad: {  	[sflag:s21] =	ssyncset.done $0x0  }
0x2ae: {  	[sflag:s21] =	ssyncadd.s32 $0xFFFF8000  }
0x2af: {  	v2 =	vld.msk [tilespmem:$0x78], $0xff;
	_ =	sdelay $0x4  }
0x2b0: {  	v3 =	vshll.u32 v2, $0x5  }
0x2b1: {  	v2 =	vand.u32 $0x7, v2;
	v3 =	vand.u32 $0xFFFFFF00, v3  }
0x2b2: {  	v2 =	vor.u32 v2, v3  }
0x2b3: {  	v2 =	vperm.xlane v2, v0;
	_ =	sdelay $0x1  }
0x2b4: {  	v2 =	vadd.s32 v1, v2;
	_ =	sdelay $0x4  }
0x2b5: {  	[tilespmem:s29], [sflag:$0x2] =	stream.indirect_vreg.gather [hbm4b:s25+s3], $0x80, v2, vm0, $0xb8;
	[tilespmem:$0x10080] =	vst v63  }
0x2b6: {  	s31 =	simm.s32 $0x8880  }
0x2b7: {  	[tilespmem:s31], [sflag:$0x2] =	stream.indirect_vreg.gather [hbm4b:s5+s3], $0x80, v2, vm0, $0xb8;
	[tilespmem:$0x10080] =	vst v63  }
0x2b8: {  	s20 =	simm.s32 $0x9080  }
0x2b9: {  	[tilespmem:s20], [sflag:$0x2] =	stream.indirect_vreg.gather [hbm4b:s6+s3], $0x80, v2, vm0, $0xb8;
	[tilespmem:$0x10080] =	vst v63  }
0x2ba: {  	s22 =	simm.s32 $0x9880  }
0x2bb: {  	[tilespmem:s22], [sflag:$0x2] =	stream.indirect_vreg.gather [hbm4b:s7+s3], $0x80, v2, vm0, $0xb8;
	[tilespmem:$0x10080] =	vst v63  }
0x2bc: {  	s24 =	simm.s32 $0xA080  }
0x2bd: {  	[tilespmem:s24], [sflag:$0x2] =	stream.indirect_vreg.gather [hbm4b:s8+s3], $0x80, v2, vm0, $0xb8;
	[tilespmem:$0x10080] =	vst v63  }
0x2be: {  	s25 =	simm.s32 $0xA880  }
0x2bf: {  	[tilespmem:s25], [sflag:$0x2] =	stream.indirect_vreg.gather [hbm4b:s9+s3], $0x80, v2, vm0, $0xb8;
	[tilespmem:$0x10080] =	vst v63  }
0x2c0: {  	s26 =	simm.s32 $0xB080  }
0x2c1: {  	[tilespmem:s26], [sflag:$0x2] =	stream.indirect_vreg.gather [hbm4b:s10+s3], $0x80, v2, vm0, $0xb8;
	[tilespmem:$0x10080] =	vst v63  }
0x2c2: {  	s28 =	simm.s32 $0xB880  }
0x2c3: {  	[tilespmem:s28], [sflag:$0x2] =	stream.indirect_vreg.gather [hbm4b:s11+s3], $0x80, v2, vm0, $0xb8;
	[tilespmem:$0x10080] =	vst v63  }
0x2c4: {  	s30 =	simm.s32 $0xC080  }
0x2c5: {  	[tilespmem:s30], [sflag:$0x2] =	stream.indirect_vreg.gather [hbm4b:s12+s3], $0x80, v2, vm0, $0xb8;
	[tilespmem:$0x10080] =	vst v63  }
0x2c6: {  	s31 =	simm.s32 $0xC880  }
0x2c7: {  	[tilespmem:s31], [sflag:$0x2] =	stream.indirect_vreg.gather [hbm4b:s13+s3], $0x80, v2, vm0, $0xb8;
	[tilespmem:$0x10080] =	vst v63  }
0x2c8: {  	s20 =	simm.s32 $0xD080  }
0x2c9: {  	[tilespmem:s20], [sflag:$0x2] =	stream.indirect_vreg.gather [hbm4b:s14+s3], $0x80, v2, vm0, $0xb8;
	[tilespmem:$0x10080] =	vst v63  }
0x2ca: {  	s22 =	simm.s32 $0xD880  }
0x2cb: {  	[tilespmem:s22], [sflag:$0x2] =	stream.indirect_vreg.gather [hbm4b:s15+s3], $0x80, v2, vm0, $0xb8;
	[tilespmem:$0x10080] =	vst v63  }
0x2cc: {  	s24 =	simm.s32 $0xE080  }
0x2cd: {  	[tilespmem:s24], [sflag:$0x2] =	stream.indirect_vreg.gather [hbm4b:s16+s3], $0x80, v2, vm0, $0xb8;
	[tilespmem:$0x10080] =	vst v63  }
0x2ce: {  	s25 =	simm.s32 $0xE880  }
0x2cf: {  	[tilespmem:s25], [sflag:$0x2] =	stream.indirect_vreg.gather [hbm4b:s17+s3], $0x80, v2, vm0, $0xb8;
	[tilespmem:$0x10080] =	vst v63  }
0x2d0: {  	s26 =	simm.s32 $0xF080  }
0x2d1: {  	[tilespmem:s26], [sflag:$0x2] =	stream.indirect_vreg.gather [hbm4b:s18+s3], $0x80, v2, vm0, $0xb8;
	[tilespmem:$0x10080] =	vst v63  }
0x2d2: {  	s28 =	simm.s32 $0xF880  }
0x2d3: {  	[tilespmem:s28], [sflag:$0x2] =	stream.indirect_vreg.gather [hbm4b:s19+s3], $0x80, v2, vm0, $0xb8;
	[tilespmem:$0x10080] =	vst v63  }
0x2d4: {  	_ =	swait.ge [sflag:s4], $0x8000  }
0x2d5: {  	[sflag:s4] =	ssyncset.done $0x0  }
0x2d6: {  	s30 =	rddreg [dreg:$0x12];
	[sflag:s4] =	ssyncadd.s32 $0xFFFF8000  }
0x2d7: {  	[hbm4b:s30+s3] =	stream.linear.scatter [tilespmem:s1], [sflag:$0x3], $0x8000, $0x38;
	[tilespmem:$0x10080] =	vst v63  }
0x2d8: {  	_ =	swait.ge [sflag:s21], $0x8000  }
0x2d9: {  	[sflag:s21] =	ssyncset.done $0x0  }
0x2da: {  	[sflag:s21] =	ssyncadd.s32 $0xFFFF8000  }
0x2db: {  	_ =	swait.ge [sflag:s23], $0x8000  }
0x2dc: {  	p0 =	sne.s32 s0, $0x1;
	[sflag:s23] =	ssyncset.done $0x0  }
.Ltmp0:
0x2dd: {  	s31 =	rddreg [dreg:$0x13];
	[sflag:s23] =	ssyncadd.s32 $0xFFFF8000;
	(pc) =	sbr.rel @p0 .LBB2_1-.Ltmp0, $4  }
0x2de: {  	[hbm4b:s31+s3] =	stream.linear.scatter [tilespmem:s29], [sflag:$0x3], $0x8000, $0x38;
	[tilespmem:$0x10080] =	vst v63  }
0x2df: {  	_ =	swait.ge [sflag:s21], $0x8000  }
0x2e0: {  	[sflag:s21] =	ssyncset.done $0x0  }
0x2e1: {  	s0 =	sadd.s32 $0xFFFFFFFF, s0;
	[sflag:s21] =	ssyncadd.s32 $0xFFFF8000  }
0x2e2: {  	_ =	sfence.sel $0x180000  }
0x2e3: {  	[bflag:$0x0] =	sbarrier.arrive $0xFFFF  }
0x2e4: {  	_ =	strace $0x90000047  }
0x2e5: {  	s0 =	stileid.u32;
	[bflag:$0x2] =	sbarrier.arrive $0xFFFF  }
0x2e6: {  	p0 =	sne.s32 s0, $0x0;
	s0 =	rddreg [dreg:$0x3]  }
0x2e7: {  	s0 =	sadd.s32 @!p0 $0x100000, s0  }
0x2e8: {  	[sflag:s0] =	ssyncadd.tile.s32 @!p0 $0x1;
	_ =	shalt  }
.Lfunc_end2:
_tile_overlayer_lowered:
.L_overlay_start_2:
0x2e9: {  	(tag) =	ssettag $0x2  }
0x2ea: {  	s0 =	rddreg [dreg:$0x0];
	s2 =	stileid.u32  }
0x2eb: {  	s1 =	rddreg [dreg:$0x1];
	p0 =	sne.s32 s2, $0x0  }
0x2ec: {  	s3 =	rddreg [dreg:$0x2];
	[bflag:$0x3] =	sbarrier.arrive $0xFFFF;
	s2 =	simm.s32 @!p0 $0x1C03  }
0x2ed: {  	[timem:s3], [sflag:s2] =	dma.local @!p0 [hbm:s0], s1  }
0x2ee: {  	s0 =	simm.s32 @!p0 $0x3  }
0x2ef: {  	_ =	swait.ge @!p0 [sflag:s0], s1  }
0x2f0: {  	s1 =	ssub.s32 @!p0 $0x0, s1;
	[sflag:s0] =	ssyncset.done @!p0 $0x0  }
0x2f1: {  	[sflag:s0] =	ssyncadd.s32 @!p0 s1  }
0x2f2: {  	[bflag:$0x3] =	sbarrier.arrive $0xFFFF  }
0x2f3: {  	_ =	shalt  }

// kernel: sparse-core-data-format-call.cloned.1.call-start
scs
called_computation_lowered:
.L_overlay_start_0:
0x0: {  	s2 =	sld [smem:$0x3FD9]  }
0x1: {  	s3 =	sld [smem:$0x3FFE];
	_ =	sdelay $0x1  }
0x2: {  	s1 =	srdreg.scid  }
0x3: {  	s0 =	sand.u32 $0x1, s1  }
0x4: {  	s15 =	sshll.u32 s0, $0xA;
	s2 =	sadd.s32 s3, s2  }
0x5: {  	s2 =	sadd.s32 s2, s15  }
0x6: {  	[smem:$0x3FC6] =	sst s2  }
0x7: {  	_ = 	snop  }
0x8: {  	s2 =	sld [smem:$0x3FD0];
	_ =	sdelay $0x2  }
0x9: {  	s16 =	simm.s32 $0xA;
	s4 =	simm.s32 $0x10  }
0xa: {  	[smem:s4], [sflag:s16] =	dma.local [hbm:s2], $0x1  }
0xb: {  	_ =	swait.eq [sflag:s16], $0x1  }
0xc: {  	[sflag:s16] =	ssyncset.done $0x0  }
0xd: {  	[sflag:s16] =	ssyncadd.s32 $0xFFFFFFFF  }
0xe: {  	s17 =	sld [smem:$0x11];
	(tm) =	ssettm $0x1  }
0xf: {  	s18 =	sld [smem:$0x3FFB];
	_ =	sdelay $0x3  }
0x10: {  	_ =	strace s18  }
0x11: {  	s3 =	sld [smem:$0x3FFC];
	_ =	sdelay $0x3  }
0x12: {  	_ =	strace s3  }
0x13: {  	s3 =	sld [smem:$0x3FFD];
	_ =	sdelay $0x3  }
0x14: {  	_ =	strace s3  }
0x15: {  	_ =	strace $0x8FFFFFFF  }
0x16: {  	s19 =	sld [smem:$0x3FDB];
	_ =	sdelay $0x1  }
0x17: {  	s20 =	simm.s32 $_scs_section_size  }
0x18: {  	s5 =	simm.s32 $_size__tile_overlayer_lowered;
	s6 =	simm.s32 $_tile_overlayer_lowered  }
0x19: {  	s23 =	simm.s32 $0x1BFF;
	s22 =	sshll.u32 s6, $0x1;
	s3 =	sadd.s32 s20, s19  }
0x1a: {  	s7 =	simm.s32 $0x0;
	s21 =	sshll.u32 s5, $0x1;
	s5 =	sadd.s32 s22, s3  }
0x1b: {  	[timem:s7], [sflag:s23] =	dma.local [hbm:s5], s21  }
0x1c: {  	_ =	swait.ge [sflag:s23], s21  }
0x1d: {  	s4 =	ssub.s32 $0x0, s21;
	[sflag:s23] =	ssyncset.done $0x0  }
0x1e: {  	[sflag:s23] =	ssyncadd.s32 s4;
	_ =	sdelay $0x1  }
0x1f: {  	s24 =	simm.s32 $0x1B8B  }
0x20: {  	_ =	swait.ge [sflag:s24], $0x1  }
0x21: {  	[sflag:s24] =	ssyncset.done $0x0  }
0x22: {  	s26 =	simm.s32 $0x1B8E;
	s25 =	sld [smem:$0x3FFE];
	[sflag:s24] =	ssyncadd.s32 $0xFFFFFFFF  }
0x23: {  	s27 =	simm.s32 $execute0_lowered;
	[smem:$0x3FD2] =	sst s26  }
0x24: {  	s5 =	sshll.u32 s27, $0x1;
	_ =	strace $0x80000049;
	[dreg:$0x1] =	wrdreg $0xFFFFFFFF  }
0x25: {  	s28 =	simm.s32 $_size_execute0_lowered;
	s3 =	sadd.s32 s3, s5;
	[dreg:$0x0] =	wrdreg $0x0  }
0x26: {  	s5 =	sshll.u32 s28, $0x1;
	[dreg:$0x2] =	wrdreg s3  }
0x27: {  	[dreg:$0x3] =	wrdreg s5  }
0x28: {  	[dreg:$0x4] =	wrdreg $0xC0  }
0x29: {  	_ =	task [dreg:s7], $0x5FFFF  }
0x2a: {  	[dreg:$0x1] =	wrdreg $0xFFFFFFFF  }
0x2b: {  	[dreg:$0x0] =	wrdreg $0x60  }
0x2c: {  	[dreg:$0x2] =	wrdreg s25  }
0x2d: {  	[dreg:$0x3] =	wrdreg s17  }
0x2e: {  	[dreg:$0x4] =	wrdreg $0x9  }
0x2f: {  	_ =	task.clear_ibuf [dreg:s7], $0x5FFFF;
	_ =	strace $0x90000049  }
0x30: {  	s29 =	simm.s32 $0x9;
	_ =	strace $0x8000004B  }
0x31: {  	_ =	swait.ge [sflag:s29], $0x1  }
0x32: {  	[sflag:s29] =	ssyncadd.s32 $0xFFFFFFFF  }
0x33: {  	_ =	strace $0x9000004B  }
0x34: {  	_ =	sfence  }
0x35: {  	s30 =	sld [smem:$0x0];
	_ =	sdelay $0x2  }
0x36: {  	s31 =	sshll.u32 s1, $0xD;
	s1 =	sshrl.u32 s1, $0x2  }
0x37: {  	s3 =	sand.u32 $0x4000, s31;
	s1 =	sadd.s32 s1, s30  }
0x38: {  	s0 =	sor.u32 s3, s0;
	s1 =	sshll.u32 s1, $0x11  }
0x39: {  	s0 =	sor.u32 s1, s0  }
0x3a: {  	s0 =	sadd.s32 $0x8F2B, s0  }
0x3b: {  	[sflag:s0] =	ssyncadd.remote.s32 $0x1  }
0x3c: {  	_ =	sfence.sel $0xFFFF  }
0x3d: {  	[dreg:$0x0] =	wrdreg $0xFFFFFFFF;
	(pc) =	sbr.abs _section_cstart, $3  }
0x3e: {  	[dreg:$0x1] =	wrdreg $0xFFFFFFFF  }
0x3f: {  	_ =	task.clear_ibuf [dreg:s7], $0x2FFFF;
	_ =	strace $0x9FFFFFFF  }
0x40: {  	(tm) =	ssettm $0x7FFFFFFF  }
0x41: {  	_ =	shalt  }
tec
execute0_lowered:
.L_overlay_start_1:
0x0: {  	(tag) =	ssettag $0x1  }
0x1: {  	s2 =	rddreg [dreg:$0x0]  }
0x2: {  	s0 =	stileid.u32;
	s3 =	rddreg [dreg:$0x1]  }
0x3: {  	s5 =	srdreg.scid;
	s31 =	simm.s32 $0x2;
	s14 =	simm.s32 $0x0  }
0x4: {  	p0 =	por $0x0, $0x0;
	s9 =	simm.s32 $0x1000;
	s16 =	simm.s32 $0x0  }
0x5: {  	s15 =	simm.s32 $0x0;
	s10 =	simm.s32 $0x0;
	s1 =	sshll.u32 s0, $0x7  }
0x6: {  	s13 =	simm.s32 $0x0;
	s5 =	sshll.u32 s5, $0x4;
	s4 =	sand.u32 $0x80, s1  }
0x7: {  	s1 =	rddreg [dreg:$0x2];
	_ =	strace $0x8000004A;
	s6 =	ssub.s32 $0x100, s4  }
.Ltmp0:
0x8: {  	s5 =	sand.u32 $0x10, s5;
	s7 =	sshrl.u32 s6, $0x7;
	(pc) =	sbr.rel .LBB1_1-.Ltmp0, $4  }
0x9: {  	s5 =	sor.u32 s0, s5;
	s8 =	sshrl.u32 s6, $0x8;
	s7 =	sand.u32 $0x1, s7  }
0xa: {  	s12 =	smov.u32 s4;
	s6 =	simm.s32 $0x1;
	s7 =	sadd.s32 s8, s7  }
0xb: {  	s5 =	sshrl.u32 s5, $0x1;
	[sflag:s6] =	ssyncpa.u1 $0x0;
	s7 =	sshll.u32 s7, $0x5  }
0xc: {  	s11 =	smov.u32 s5;
	[sflag:s31] =	ssyncpa.u1 $0x0;
	s8 =	sor.u32 $0x1, s7  }
.LBB1_4:
0xd: {  	v5 =	vld [tilespmem:s19+$0xFFFFFFD0];
	[tilespmem:s20+$0x2040 ss:$0x81] =	vst.msk $0xffff, v1  }
0xe: {  	v58 =	vld [tilespmem:s19+$0xFFFFFFE0];
	[tilespmem:s20+$0x2850 ss:$0x81] =	vst.msk $0xffff, v2  }
0xf: {  	s21 =	sshra.s32 s21, $0x2;
	v59 =	vld [tilespmem:s19+$0xFFFFFFF0];
	[tilespmem:s20+$0x3060 ss:$0x81] =	vst.msk $0xffff, v3  }
0x10: {  	v60 =	vld [tilespmem:s19+$0x0];
	[tilespmem:s20+$0x0 ss:$0x81] =	vst.msk $0xffff, v0;
	s18 =	sadd.s32 s21, s18  }
0x11: {  	v61 =	vld [tilespmem:s19+$0x10];
	s25 =	sshll.u32 s16, $0x8;
	[tilespmem:s18+$0x3870 ss:$0x81] =	vst.msk $0xffff, v4  }
0x12: {  	s26 =	sshll.u32 s15, $0x3;
	v62 =	vld [tilespmem:s19+$0x20];
	s27 =	sshll.u32 s16, $0x7;
	s30 =	sand.u32 $0x78, s15;
	[tilespmem:s18+$0x810 ss:$0x81] =	vst.msk $0xffff, v5  }
0x13: {  	v63 =	vld [tilespmem:s19+$0xFFFFFFC0];
	s14 =	sshll.u32 s14, $0x9;
	s20 =	sand.u32 $0x800, s25;
	s21 =	sand.u32 $0xC00, s26;
	[tilespmem:s18+$0x1020 ss:$0x81] =	vst.msk $0xffff, v58  }
0x14: {  	s29 =	sand.u32 $0x300, s27;
	s16 =	sand.u32 $0x80, s27;
	s28 =	sadd.s32 s21, s20;
	[tilespmem:s18+$0x1830 ss:$0x81] =	vst.msk $0xffff, v59  }
0x15: {  	s31 =	sand.u32 $0x7, s15;
	s16 =	sor.u32 s30, s16;
	s19 =	sor.u32 s29, s28;
	[tilespmem:s18+$0x2040 ss:$0x81] =	vst.msk $0xffff, v60  }
0x16: {  	s14 =	sadd.s32 s3, s14;
	s16 =	sshrl.u32 s16, $0x3;
	s19 =	sshrl.u32 s19, $0x3;
	[tilespmem:s18+$0x2850 ss:$0x81] =	vst.msk $0xffff, v61  }
0x17: {  	s15 =	sshll.u32 s31, $0x12;
	s14 =	sadd.s32 s16, s14;
	[tilespmem:s18+$0x3060 ss:$0x81] =	vst.msk $0xffff, v62;
	s19 =	sand.u32 $0x1E0, s19  }
0x18: {  	s15 =	sor.u32 $0x80, s15;
	[tilespmem:s18+$0x0 ss:$0x81] =	vst.msk $0xffff, v63;
	s14 =	sadd.s32 s19, s14  }
0x19: {  	[hbm4b:s14+s15] =	stream.strided.scatter [tilespmem:s17], [sflag:$0x2], $0x4000, s9, s15, $0x20;
	[tilespmem:$0x10100] =	vst v63  }
.LBB1_5:
0x1a: {  	s17 =	sadd.s32 $0x80, s10  }
0x1b: {  	s14 =	sadd.s32 $0x10, s11;
	s18 =	smov.u32 s11;
	p2 =	sgt.s32 s17, $0xFFF  }
0x1c: {  	s18 =	smov.u32 @p2 s14  }
0x1d: {  	s20 =	smov.u32 s12;
	s14 =	sadd.s32 $0x100, s12;
	p3 =	sgt.s32 s18, $0xF  }
0x1e: {  	s20 =	smov.u32 @p3 s14  }
0x1f: {  	s17 =	simm.s32 @p2 $0x0;
	p2 =	sgt.s32 s20, $0xFF  }
0x20: {  	p1 =	slt.u32 s13, $0x2;
	s20 =	smov.u32 @p2 s4;
	p2 =	sne.s32 s13, s8  }
.Ltmp1:
0x21: {  	s19 =	simm.s32 @!p1 $0x2;
	(pc) =	sbr.rel @!p2 .LBB1_6-.Ltmp1, $4  }
0x22: {  	s16 =	smov.u32 s11;
	s15 =	smov.u32 s12;
	_ =	swait.ge @!p1 [sflag:s19], $0x4000  }
0x23: {  	p0 =	por !p0, !p0;
	[sflag:s19] =	ssyncset.done @!p1 $0x0;
	s18 =	smov.u32 @p3 s5  }
0x24: {  	s14 =	smov.u32 s10;
	[sflag:s19] =	ssyncadd.s32 @!p1 $0xFFFFC000;
	s10 =	smov.u32 s17  }
0x25: {  	s11 =	smov.u32 s18;
	s13 =	sadd.s32 $0x1, s13;
	s12 =	smov.u32 s20  }
.LBB1_1:
0x26: {  	p1 =	sge.u32 s13, s7;
	s31 =	sadd.s32 $0xFFFFFFFF, s13  }
0x27: {  	s17 =	sxor.u32 @!p1 $0xFFFFFFFF, s13;
	s18 =	sand.u32 @!p1 $0x78, s10;
	s19 =	sshll.u32 @!p1 s11, $0xC  }
0x28: {  	s20 =	sshll.u32 @!p1 s11, $0x7;
	s21 =	sshll.u32 @!p1 s10, $0x3;
	s17 =	sshll.u32 @!p1 s17, $0xE  }
0x29: {  	s19 =	sand.u32 @!p1 $0x8000, s19;
	s20 =	sand.u32 @!p1 $0x380, s20;
	s17 =	sand.u32 @!p1 $0x4000, s17  }
0x2a: {  	s19 =	sadd.s32 @!p1 s19, s21;
	s21 =	sand.u32 @!p1 $0xC00, s21;
	s18 =	sor.u32 @!p1 s20, s18  }
0x2b: {  	s20 =	sshll.u32 @!p1 s12, $0xD;
	s18 =	sor.u32 @!p1 s21, s18;
	s19 =	sshrl.u32 @!p1 s19, $0x3  }
0x2c: {  	s20 =	sadd.s32 @!p1 s2, s20;
	s21 =	sand.u32 @!p1 $0x7, s10;
	s19 =	sand.u32 @!p1 $0x1E00, s19  }
0x2d: {  	s18 =	sshrl.u32 @!p1 s18, $0x3;
	s19 =	sadd.s32 @!p1 s19, s20;
	s20 =	sshll.u32 @!p1 s21, $0x12  }
0x2e: {  	s18 =	sadd.s32 @!p1 s18, s19;
	s19 =	sor.u32 @!p1 $0x80, s20;
	s20 =	simm.s32 @!p1 $0x10000  }
0x2f: {  	[tilespmem:s17], [sflag:$0x1] =	stream.strided.gather @!p1 [hbm4b:s18+s19], $0x4000, s20, s19, $0x38;
	[tilespmem:$0x10100] =	vst v63  }
0x30: {  	p1 =	sge.u32 s31, s7  }
.Ltmp2:
0x31: {  	_ = 	snop;
	(pc) =	sbr.rel @p1 .LBB1_5-.Ltmp2, $1  }
0x32: {  	_ =	sdelay $0x3  }
0x33: {  	s17 =	simm.s32 $0x1  }
0x34: {  	_ =	swait.ge [sflag:s6], $0x4000;
	s17 =	simm.s32 @!p0 $0x0  }
0x35: {  	[sflag:s6] =	ssyncset.done $0x0;
	s18 =	sshll.u32 s17, $0xE  }
0x36: {  	[sflag:s6] =	ssyncadd.s32 $0xFFFFC000;
	s19 =	sor.u32 $0x40, s18  }
0x37: {  	s17 =	smul.u32 $0x10200, s17;
	v0 =	vld [tilespmem:s19+$0x30]  }
0x38: {  	v3 =	vld [tilespmem:s19+$0xFFFFFFD0]  }
0x39: {  	s17 =	sshrl.u32 s17, $0x2;
	v4 =	vld [tilespmem:s19+$0xFFFFFFE0]  }
0x3a: {  	v5 =	vld [tilespmem:s19+$0xFFFFFFF0];
	s18 =	sor.u32 $0x8000, s17  }
0x3b: {  	s31 =	sand.u32 $0x1, s13;
	v1 =	vld [tilespmem:s19+$0x0];
	s20 =	sadd.s32 $0x0, s18  }
0x3c: {  	v2 =	vld [tilespmem:s19+$0x10];
	s17 =	smul.u32 $0x10200, s31;
	[tilespmem:s20+$0x3870 ss:$0x81] =	vst.msk $0xffff, v0  }
0x3d: {  	[tilespmem:s20+$0x810 ss:$0x81] =	vst.msk $0xffff, v3;
	v3 =	vld [tilespmem:s19+$0x20]  }
0x3e: {  	s17 =	sshrl.u32 s17, $0x2;
	v0 =	vld [tilespmem:s19+$0xFFFFFFC0];
	[tilespmem:s20+$0x1020 ss:$0x81] =	vst.msk $0xffff, v4;
	s19 =	sadd.s32 $0x80, s19  }
0x3f: {  	s21 =	simm.s32 $0x4;
	s22 =	simm.s32 $0x8;
	s17 =	sor.u32 $0x8000, s17;
	[tilespmem:s20+$0x1830 ss:$0x81] =	vst.msk $0xffff, v5;
	v4 =	vld [tilespmem:s19+$0x30]  }
.LBB1_3:
0x40: {  	p1 =	sne.s32 s22, $0x1FC;
	v5 =	vld [tilespmem:s19+$0xFFFFFFD0];
	[tilespmem:s20+$0x2040 ss:$0x81] =	vst.msk $0xffff, v1  }
0x41: {  	v6 =	vld [tilespmem:s19+$0xFFFFFFE0];
	[tilespmem:s20+$0x2850 ss:$0x81] =	vst.msk $0xffff, v2  }
0x42: {  	s23 =	sshra.s32 s21, $0x2;
	s21 =	smov.u32 s22;
	v7 =	vld [tilespmem:s19+$0xFFFFFFF0];
	[tilespmem:s20+$0x3060 ss:$0x81] =	vst.msk $0xffff, v3  }
.Ltmp3:
0x43: {  	v1 =	vld [tilespmem:s19+$0x0];
	[tilespmem:s20+$0x0 ss:$0x81] =	vst.msk $0xffff, v0;
	s20 =	sadd.s32 s23, s18;
	(pc) =	sbr.rel @p1 .LBB1_3-.Ltmp3, $4  }
0x44: {  	v2 =	vld [tilespmem:s19+$0x10];
	[tilespmem:s20+$0x3870 ss:$0x81] =	vst.msk $0xffff, v4  }
0x45: {  	[tilespmem:s20+$0x810 ss:$0x81] =	vst.msk $0xffff, v5;
	v3 =	vld [tilespmem:s19+$0x20]  }
0x46: {  	v0 =	vld [tilespmem:s19+$0xFFFFFFC0];
	[tilespmem:s20+$0x1020 ss:$0x81] =	vst.msk $0xffff, v6;
	s19 =	sadd.s32 $0x80, s19  }
0x47: {  	s22 =	sadd.s32 $0x4, s22;
	v4 =	vld [tilespmem:s19+$0x30];
	[tilespmem:s20+$0x1830 ss:$0x81] =	vst.msk $0xffff, v7  }
.Ltmp4:
0x48: {  	_ = 	snop;
	(pc) =	sbr.rel .LBB1_4-.Ltmp4, $1  }
0x49: {  	_ =	sdelay $0x3  }
.LBB1_6:
0x4a: {  	_ =	sfence.sel $0x180000  }
0x4b: {  	s2 =	simm.s32 $0x1;
	[bflag:$0x0] =	sbarrier.arrive $0xFFFF  }
0x4c: {  	s31 =	simm.s32 $0x2;
	[sflag:s2] =	ssyncpa.u1 $0x1  }
0x4d: {  	[sflag:s31] =	ssyncpa.u1 $0x1  }
0x4e: {  	p0 =	sne.s32 s0, $0x0;
	_ =	strace $0x9000004A  }
0x4f: {  	s0 =	sadd.s32 @!p0 $0x100000, s1;
	[bflag:$0x2] =	sbarrier.arrive $0xFFFF  }
0x50: {  	[sflag:s0] =	ssyncadd.tile.s32 @!p0 $0x1;
	_ =	shalt  }
.Lfunc_end1:
_tile_overlayer_lowered:
.L_overlay_start_2:
0x51: {  	(tag) =	ssettag $0x2  }
0x52: {  	s0 =	rddreg [dreg:$0x0];
	s2 =	stileid.u32  }
0x53: {  	s1 =	rddreg [dreg:$0x1];
	p0 =	sne.s32 s2, $0x0  }
0x54: {  	s3 =	rddreg [dreg:$0x2];
	[bflag:$0x3] =	sbarrier.arrive $0xFFFF;
	s2 =	simm.s32 @!p0 $0x1C01  }
0x55: {  	[timem:s3], [sflag:s2] =	dma.local @!p0 [hbm:s0], s1  }
0x56: {  	s0 =	simm.s32 @!p0 $0x1  }
0x57: {  	_ =	swait.ge @!p0 [sflag:s0], s1  }
0x58: {  	s1 =	ssub.s32 @!p0 $0x0, s1;
	[sflag:s0] =	ssyncset.done @!p0 $0x0  }
0x59: {  	[sflag:s0] =	ssyncadd.s32 @!p0 s1  }
0x5a: {  	[bflag:$0x3] =	sbarrier.arrive $0xFFFF  }
0x5b: {  	_ =	shalt  }

</sc_bundles>
